<compile_context>
chip_gen: v7x
topology: tpu7x:2x2x1
jax: 0.10.2.dev20260603
libtpu: 0.0.44.dev20260713+nightly
codegen_flags: <defaults>
</compile_context>

<pallas_src>
import functools

import jax
import jax.numpy as jnp
from jax import lax
from jax.experimental import pallas as pl
from jax.experimental.pallas import tpu as pltpu
from jax.experimental.pallas import tpu_sc as plsc

NC = 2
NS = 16
NW = NC * NS
L = 16
K = 128


def _sc_mesh():
  return plsc.VectorSubcoreMesh(core_axis_name="c", subcore_axis_name="s")


def kernel(X, edge_index, W, b):
  N, Din = X.shape
  Dout = W.shape[1]
  E = edge_index.shape[1]

  row_unit = NS * K
  NPAD = ((N + 1 + row_unit - 1) // row_unit) * row_unit
  TPR = NPAD // NS

  C = (((E + NW * K - 1) // (NW * K)) + 3) // 4 * 4
  EPW = C * K
  EPAD = EPW * NW
  H = 2
  CH = C // H

  ei = edge_index.astype(jnp.int32)
  last = (NW - 1) * EPW
  pad = N + jnp.arange(EPAD - E, dtype=jnp.int32) % (NPAD - N)
  padb = jnp.broadcast_to(pad, (2, EPAD - E))
  tail = jnp.concatenate([ei[:, last:], padb], axis=1)

  @functools.partial(
      pl.kernel,
      out_type=jax.ShapeDtypeStruct((NC, NPAD), jnp.float32),
      mesh=_sc_mesh(),
      scratch_types=[
          pltpu.VMEM((EPW,), jnp.int32),
          pltpu.VMEM((K,), jnp.float32),
          pltpu.VMEM((TPR,), jnp.float32),
          pltpu.VMEM_SHARED((NPAD,), jnp.float32),
          pltpu.SemaphoreType.DMA,
      ],
  )
  def deg_kernel(ei_hbm, tail_hbm, out_hbm, idx_v, ones_v, zero_v, deg_sp,
                 sem):
    c = lax.axis_index("c")
    s = lax.axis_index("s")
    wid = c * NS + s
    @pl.when(wid < NW - 1)
    def _():
      pltpu.sync_copy(ei_hbm.at[1, pl.ds(wid * EPW, EPW)], idx_v)

    @pl.when(wid == NW - 1)
    def _():
      pltpu.sync_copy(tail_hbm.at[1], idx_v)

    for i in range(K // L):
      ones_v[pl.ds(i * L, L)] = jnp.ones((L,), jnp.float32)
    for i in range(TPR // L):
      zero_v[pl.ds(i * L, L)] = jnp.zeros((L,), jnp.float32)
    pltpu.sync_copy(zero_v, deg_sp.at[pl.ds(s * TPR, TPR)])
    plsc.subcore_barrier()

    def body(j, carry):
      pltpu.async_copy(ones_v, deg_sp.at[idx_v.at[pl.ds(j * K, K)]], sem,
                       add=True)
      return carry

    lax.fori_loop(0, C, body, 0)
    pltpu.make_async_copy(tail_hbm.at[1], idx_v, sem).wait()
    plsc.subcore_barrier()
    pltpu.sync_copy(deg_sp.at[pl.ds(s * TPR, TPR)],
                    out_hbm.at[c, pl.ds(s * TPR, TPR)])

  degp = deg_kernel(ei, tail)

  MB = 2048

  def mm_body(x_ref, w_ref, b_ref, dg_ref, g_ref):
    d = dg_ref[0:1, :] + dg_ref[1:2, :] + 1.0
    dinv = jnp.transpose(lax.rsqrt(jnp.maximum(d, 1.0)), (1, 0))
    h = jnp.dot(x_ref[...], w_ref[...],
                preferred_element_type=jnp.float32) + b_ref[...]
    g_ref[...] = h * dinv

  g = pl.pallas_call(
      mm_body,
      grid=((N + MB - 1) // MB,),
      in_specs=[
          pl.BlockSpec((MB, Din), lambda i: (i, 0)),
          pl.BlockSpec((Din, Dout), lambda i: (0, 0)),
          pl.BlockSpec((1, Dout), lambda i: (0, 0)),
          pl.BlockSpec((NC, MB), lambda i: (0, i)),
      ],
      out_specs=pl.BlockSpec((MB, Dout), lambda i: (i, 0)),
      out_shape=jax.ShapeDtypeStruct((NPAD, Dout), jnp.float32),
  )(X, W, b.reshape(1, Dout), degp)

  @functools.partial(
      pl.kernel,
      out_type=jax.ShapeDtypeStruct((NC, NPAD, Dout), jnp.float32),
      mesh=_sc_mesh(),
      scratch_types=[
          pltpu.VMEM((CH * K,), jnp.int32),
          pltpu.VMEM((CH * K,), jnp.int32),
          pltpu.VMEM((K, Dout), jnp.float32),
          pltpu.VMEM((K, Dout), jnp.float32),
          pltpu.VMEM_SHARED((NPAD, Dout), jnp.float32),
          pltpu.SemaphoreType.DMA,
          pltpu.SemaphoreType.DMA,
      ],
  )
  def scat_kernel(g_hbm, ei_hbm, tail_hbm, out_hbm,
                  si_v, di_v, rows_a, rows_b, acc_sp, sem_a, sem_b):
    c = lax.axis_index("c")
    s = lax.axis_index("s")
    wid = c * NS + s

    def zbody(i, carry):
      for jj in range(Dout // L):
        rows_a[i, pl.ds(jj * L, L)] = jnp.zeros((L,), jnp.float32)
      return carry

    lax.fori_loop(0, K, zbody, 0)
    for r in range(TPR // K):
      pltpu.sync_copy(rows_a, acc_sp.at[pl.ds(s * TPR + r * K, K)])
    plsc.subcore_barrier()

    for h in range(H):
      @pl.when(wid < NW - 1)
      def _(h=h):
        pltpu.sync_copy(ei_hbm.at[0, pl.ds(wid * EPW + h * CH * K, CH * K)],
                        si_v)
        pltpu.sync_copy(ei_hbm.at[1, pl.ds(wid * EPW + h * CH * K, CH * K)],
                        di_v)

      @pl.when(wid == NW - 1)
      def _(h=h):
        pltpu.sync_copy(tail_hbm.at[0, pl.ds(h * CH * K, CH * K)], si_v)
        pltpu.sync_copy(tail_hbm.at[1, pl.ds(h * CH * K, CH * K)], di_v)

      pltpu.async_copy(g_hbm.at[si_v.at[pl.ds(0, K)]], rows_a, sem_a)
      pltpu.async_copy(g_hbm.at[si_v.at[pl.ds(K, K)]], rows_b, sem_b)

      def body(jj, carry):
        j = jj * 2
        for rows_v, sem, off in ((rows_a, sem_a, 0), (rows_b, sem_b, 1)):
          pltpu.make_async_copy(g_hbm.at[si_v.at[pl.ds((j + off) * K, K)]],
                                rows_v, sem).wait()
          pltpu.sync_copy(rows_v, acc_sp.at[di_v.at[pl.ds((j + off) * K, K)]],
                          add=True)
          nxt = jnp.minimum((j + off + 2) * K, (CH - 1) * K)
          pltpu.async_copy(g_hbm.at[si_v.at[pl.ds(nxt, K)]], rows_v, sem)
        return carry

      lax.fori_loop(0, CH // 2, body, 0)
      pltpu.make_async_copy(g_hbm.at[si_v.at[pl.ds(0, K)]], rows_a, sem_a).wait()
      pltpu.make_async_copy(g_hbm.at[si_v.at[pl.ds(0, K)]], rows_b, sem_b).wait()
    plsc.subcore_barrier()
    for r in range(TPR // K):
      pltpu.sync_copy(acc_sp.at[pl.ds(s * TPR + r * K, K)],
                      out_hbm.at[c, pl.ds(s * TPR + r * K, K)])

  accp = scat_kernel(g, ei, tail)

  MB2 = 2048

  def fin_body(a0_ref, a1_ref, g_ref, dg_ref, o_ref):
    d = dg_ref[0:1, :] + dg_ref[1:2, :] + 1.0
    dinv = jnp.transpose(lax.rsqrt(jnp.maximum(d, 1.0)), (1, 0))
    tot = a0_ref[0] + a1_ref[0] + g_ref[...]
    o_ref[...] = jnp.maximum(tot * dinv, 0.0)

  out = pl.pallas_call(
      fin_body,
      grid=((N + MB2 - 1) // MB2,),
      in_specs=[
          pl.BlockSpec((1, MB2, Dout), lambda i: (0, i, 0)),
          pl.BlockSpec((1, MB2, Dout), lambda i: (1, i, 0)),
          pl.BlockSpec((MB2, Dout), lambda i: (i, 0)),
          pl.BlockSpec((NC, MB2), lambda i: (0, i)),
      ],
      out_specs=pl.BlockSpec((MB2, Dout), lambda i: (i, 0)),
      out_shape=jax.ShapeDtypeStruct((N, Dout), jnp.float32),
  )(accp, accp, g, degp)

  return out

# --- scband reference (transcript-rebuilt; emitter-appended) ---
"""Pipeline reference for scband-gcnconv-69123203662119 (READ-ONLY COPY).

The authoritative reference and input builder live on the scoring server;
editing this copy changes nothing except your own understanding.
"""

import jax, jax.numpy as jnp
import numpy as np

N = 10000
E = 320000
D_IN = 128
D_OUT = 128


def setup_inputs(seed: int = 0) -> dict:
    key = jax.random.key(seed)
    k1, k2, k3 = jax.random.split(key, 3)
    X = jax.random.normal(k1, (N, D_IN), dtype=jnp.float32)
    edge_index = jax.random.randint(k2, (2, E), 0, N)
    # Learned params of theta = nn.Linear(in_channels, out_channels)
    W = jax.random.normal(k3, (D_IN, D_OUT), dtype=jnp.float32) * (1.0 / np.sqrt(D_IN))
    b = jnp.zeros((D_OUT,), dtype=jnp.float32)
    return {"X": X, "edge_index": edge_index, "W": W, "b": b}


def reference(X, edge_index, W, b):
    # X = self.theta(X)
    h = X @ W + b
    # g.smoothing_with_GCN(X): X <- D^{-1/2} (A + I) D^{-1/2} X
    src = edge_index[0]
    dst = edge_index[1]
    loop = jnp.arange(N, dtype=src.dtype)
    src = jnp.concatenate([src, loop])
    dst = jnp.concatenate([dst, loop])
    ones = jnp.ones(src.shape[0], dtype=h.dtype)
    deg = jnp.zeros((N,), dtype=h.dtype).at[dst].add(ones)
    dinv = jax.lax.rsqrt(jnp.maximum(deg, 1.0))
    norm = dinv[src] * dinv[dst]
    msg = h[src] * norm[:, None]
    out = jnp.zeros((N, D_OUT), dtype=h.dtype).at[dst].add(msg)
    # F.relu
    return jax.nn.relu(out)

if __name__ == "__main__":
    import jax
    _d = setup_inputs()
    print(jax.jit(kernel)(*tuple(_d.values())))

</pallas_src>

<mosaic_0001>
#map = affine_map<(d0, d1) -> (0, 0)>
module attributes {stable_mosaic.version = 14 : i64} {
  func.func @deg_kernel(%arg0: i32, %arg1: i32, %arg2: memref<2x320000xi32, #tpu.memory_space<hbm>>, %arg3: memref<2x10240xi32, #tpu.memory_space<hbm>>, %arg4: memref<2x10240xf32, #tpu.memory_space<hbm>>, %arg5: memref<10240xi32, #tpu.memory_space<vmem>>, %arg6: memref<128xf32, #tpu.memory_space<vmem>>, %arg7: memref<640xf32, #tpu.memory_space<vmem>>, %arg8: memref<10240xf32, #tpu.memory_space<vmem_shared>>, %arg9: memref<!tpu.dma_semaphore, #tpu.memory_space<semaphore_mem>>) attributes {dimension_semantics = [#tpu.dimension_semantics<core_parallel>, #tpu.dimension_semantics<subcore_parallel>], iteration_bounds = array<i64: 2, 16>, scalar_prefetch = 0 : i64, scratch_operands = 5 : i64, tpu.core_type = #tpu.core_type<sc_vector_subcore>, window_params = [{transform_indices = #map}, {transform_indices = #map}, {transform_indices = #map}]} {
    %mul3A = arith.constant 16 : i32
    %mul3A_0 = arith.muli %arg0, %mul3A : i32
    %add3A = arith.addi %mul3A_0, %arg1 : i32
    %lt3A = arith.constant 31 : i32
    %lt3A_1 = arith.cmpi slt, %add3A, %lt3A : i32
    %convert_element_type3A = arith.extui %lt3A_1 : i1 to i32
    %cond3A = arith.constant 0 : i32
    %cond3A_2 = arith.cmpi ne, %convert_element_type3A, %cond3A : i32
    scf.if %cond3A_2 {
      %mul3A_311 = arith.constant 10240 : i32
      %mul3A_312 = arith.muli %add3A, %mul3A_311 : i32
      %run_scoped3A = arith.constant 1 : i32
      "tpu.region"() ({
        %run_scoped3A_313 = tpu.sem_alloc : memref<!tpu.dma_semaphore, #tpu.memory_space<semaphore_mem>>
        %dma_start3A = tpu.memref_slice %arg2[%run_scoped3A, %mul3A_312] : memref<2x320000xi32, #tpu.memory_space<hbm>> -> memref<1x10240xi32, #tpu.memory_space<hbm>>
        %dma_start3A_314 = tpu.memref_squeeze %dma_start3A : memref<1x10240xi32, #tpu.memory_space<hbm>> -> memref<10240xi32, #tpu.memory_space<hbm>>
        %dma_start3A_315 = tpu.memref_slice %arg2[%run_scoped3A, %mul3A_312] : memref<2x320000xi32, #tpu.memory_space<hbm>> -> memref<1x10240xi32, #tpu.memory_space<hbm>>
        %dma_start3A_316 = tpu.memref_squeeze %dma_start3A_315 : memref<1x10240xi32, #tpu.memory_space<hbm>> -> memref<10240xi32, #tpu.memory_space<hbm>>
        tpu.enqueue_dma source(%dma_start3A_316 : memref<10240xi32, #tpu.memory_space<hbm>>) target(%arg5 : memref<10240xi32, #tpu.memory_space<vmem>>) target_semaphore(%run_scoped3A_313 : memref<!tpu.dma_semaphore, #tpu.memory_space<semaphore_mem>>)
        %dma_wait3A_317 = tpu.memref_slice %arg2[%run_scoped3A, %mul3A_312] : memref<2x320000xi32, #tpu.memory_space<hbm>> -> memref<1x10240xi32, #tpu.memory_space<hbm>>
        %dma_wait3A_318 = tpu.memref_squeeze %dma_wait3A_317 : memref<1x10240xi32, #tpu.memory_space<hbm>> -> memref<10240xi32, #tpu.memory_space<hbm>>
        %dma_wait3A_319 = tpu.memref_slice %arg2[%run_scoped3A, %mul3A_312] : memref<2x320000xi32, #tpu.memory_space<hbm>> -> memref<1x10240xi32, #tpu.memory_space<hbm>>
        %dma_wait3A_320 = tpu.memref_squeeze %dma_wait3A_319 : memref<1x10240xi32, #tpu.memory_space<hbm>> -> memref<10240xi32, #tpu.memory_space<hbm>>
        tpu.wait_dma2 semaphore(%run_scoped3A_313 : memref<!tpu.dma_semaphore, #tpu.memory_space<semaphore_mem>>) src(%dma_wait3A_320 : memref<10240xi32, #tpu.memory_space<hbm>>) dst(%arg5 : memref<10240xi32, #tpu.memory_space<vmem>>)
        tpu.yield
      }) : () -> ()
    } else {
    }
    %eq3A = arith.constant 31 : i32
    %eq3A_3 = arith.cmpi eq, %add3A, %eq3A : i32
    %convert_element_type3A_4 = arith.extui %eq3A_3 : i1 to i32
    %cond3A_5 = arith.constant 0 : i32
    %cond3A_6 = arith.cmpi ne, %convert_element_type3A_4, %cond3A_5 : i32
    scf.if %cond3A_6 {
      %run_scoped3A = arith.constant 1 : i32
      "tpu.region"() ({
        %run_scoped3A_311 = tpu.sem_alloc : memref<!tpu.dma_semaphore, #tpu.memory_space<semaphore_mem>>
        %dma_start3A = arith.constant 0 : i32
        %dma_start3A_312 = tpu.memref_slice %arg3[%run_scoped3A, %dma_start3A] : memref<2x10240xi32, #tpu.memory_space<hbm>> -> memref<1x10240xi32, #tpu.memory_space<hbm>>
        %dma_start3A_313 = tpu.memref_squeeze %dma_start3A_312 : memref<1x10240xi32, #tpu.memory_space<hbm>> -> memref<10240xi32, #tpu.memory_space<hbm>>
        %dma_start3A_314 = arith.constant 0 : i32
        %dma_start3A_315 = tpu.memref_slice %arg3[%run_scoped3A, %dma_start3A_314] : memref<2x10240xi32, #tpu.memory_space<hbm>> -> memref<1x10240xi32, #tpu.memory_space<hbm>>
        %dma_start3A_316 = tpu.memref_squeeze %dma_start3A_315 : memref<1x10240xi32, #tpu.memory_space<hbm>> -> memref<10240xi32, #tpu.memory_space<hbm>>
        tpu.enqueue_dma source(%dma_start3A_316 : memref<10240xi32, #tpu.memory_space<hbm>>) target(%arg5 : memref<10240xi32, #tpu.memory_space<vmem>>) target_semaphore(%run_scoped3A_311 : memref<!tpu.dma_semaphore, #tpu.memory_space<semaphore_mem>>)
        %dma_wait3A_317 = arith.constant 0 : i32
        %dma_wait3A_318 = tpu.memref_slice %arg3[%run_scoped3A, %dma_wait3A_317] : memref<2x10240xi32, #tpu.memory_space<hbm>> -> memref<1x10240xi32, #tpu.memory_space<hbm>>
        %dma_wait3A_319 = tpu.memref_squeeze %dma_wait3A_318 : memref<1x10240xi32, #tpu.memory_space<hbm>> -> memref<10240xi32, #tpu.memory_space<hbm>>
        %dma_wait3A_320 = arith.constant 0 : i32
        %dma_wait3A_321 = tpu.memref_slice %arg3[%run_scoped3A, %dma_wait3A_320] : memref<2x10240xi32, #tpu.memory_space<hbm>> -> memref<1x10240xi32, #tpu.memory_space<hbm>>
        %dma_wait3A_322 = tpu.memref_squeeze %dma_wait3A_321 : memref<1x10240xi32, #tpu.memory_space<hbm>> -> memref<10240xi32, #tpu.memory_space<hbm>>
        tpu.wait_dma2 semaphore(%run_scoped3A_311 : memref<!tpu.dma_semaphore, #tpu.memory_space<semaphore_mem>>) src(%dma_wait3A_322 : memref<10240xi32, #tpu.memory_space<hbm>>) dst(%arg5 : memref<10240xi32, #tpu.memory_space<vmem>>)
        tpu.yield
      }) : () -> ()
    } else {
    }
    %broadcast_in_dim3A = arith.constant 1.000000e+00 : f32
    %broadcast_in_dim3A_7 = vector.broadcast %broadcast_in_dim3A : f32 to vector<16xf32>
    %swap3A = arith.constant 0 : index
    %swap3A_8 = tpu.vector_load %arg6[%swap3A] {strides = array<i32>} : memref<128xf32, #tpu.memory_space<vmem>>, vector<16xf32>,
    %swap3A_9 = vector.shape_cast %swap3A_8 : vector<16xf32> to vector<16xf32>
    %swap3A_10 = vector.shape_cast %broadcast_in_dim3A_7 : vector<16xf32> to vector<16xf32>
    tpu.vector_store %arg6[%swap3A], %swap3A_10 {strides = array<i32>} : memref<128xf32, #tpu.memory_space<vmem>>, vector<16xf32>,
    %broadcast_in_dim3A_11 = arith.constant 1.000000e+00 : f32
    %broadcast_in_dim3A_12 = vector.broadcast %broadcast_in_dim3A_11 : f32 to vector<16xf32>
    %swap3A_13 = arith.constant 16 : index
    %swap3A_14 = tpu.vector_load %arg6[%swap3A_13] {strides = array<i32>} : memref<128xf32, #tpu.memory_space<vmem>>, vector<16xf32>,
    %swap3A_15 = vector.shape_cast %swap3A_14 : vector<16xf32> to vector<16xf32>
    %swap3A_16 = vector.shape_cast %broadcast_in_dim3A_12 : vector<16xf32> to vector<16xf32>
    tpu.vector_store %arg6[%swap3A_13], %swap3A_16 {strides = array<i32>} : memref<128xf32, #tpu.memory_space<vmem>>, vector<16xf32>,
    %broadcast_in_dim3A_17 = arith.constant 1.000000e+00 : f32
    %broadcast_in_dim3A_18 = vector.broadcast %broadcast_in_dim3A_17 : f32 to vector<16xf32>
    %swap3A_19 = arith.constant 32 : index
    %swap3A_20 = tpu.vector_load %arg6[%swap3A_19] {strides = array<i32>} : memref<128xf32, #tpu.memory_space<vmem>>, vector<16xf32>,
    %swap3A_21 = vector.shape_cast %swap3A_20 : vector<16xf32> to vector<16xf32>
    %swap3A_22 = vector.shape_cast %broadcast_in_dim3A_18 : vector<16xf32> to vector<16xf32>
    tpu.vector_store %arg6[%swap3A_19], %swap3A_22 {strides = array<i32>} : memref<128xf32, #tpu.memory_space<vmem>>, vector<16xf32>,
    %broadcast_in_dim3A_23 = arith.constant 1.000000e+00 : f32
    %broadcast_in_dim3A_24 = vector.broadcast %broadcast_in_dim3A_23 : f32 to vector<16xf32>
    %swap3A_25 = arith.constant 48 : index
    %swap3A_26 = tpu.vector_load %arg6[%swap3A_25] {strides = array<i32>} : memref<128xf32, #tpu.memory_space<vmem>>, vector<16xf32>,
    %swap3A_27 = vector.shape_cast %swap3A_26 : vector<16xf32> to vector<16xf32>
    %swap3A_28 = vector.shape_cast %broadcast_in_dim3A_24 : vector<16xf32> to vector<16xf32>
    tpu.vector_store %arg6[%swap3A_25], %swap3A_28 {strides = array<i32>} : memref<128xf32, #tpu.memory_space<vmem>>, vector<16xf32>,
    %broadcast_in_dim3A_29 = arith.constant 1.000000e+00 : f32
    %broadcast_in_dim3A_30 = vector.broadcast %broadcast_in_dim3A_29 : f32 to vector<16xf32>
    %swap3A_31 = arith.constant 64 : index
    %swap3A_32 = tpu.vector_load %arg6[%swap3A_31] {strides = array<i32>} : memref<128xf32, #tpu.memory_space<vmem>>, vector<16xf32>,
    %swap3A_33 = vector.shape_cast %swap3A_32 : vector<16xf32> to vector<16xf32>
    %swap3A_34 = vector.shape_cast %broadcast_in_dim3A_30 : vector<16xf32> to vector<16xf32>
    tpu.vector_store %arg6[%swap3A_31], %swap3A_34 {strides = array<i32>} : memref<128xf32, #tpu.memory_space<vmem>>, vector<16xf32>,
    %broadcast_in_dim3A_35 = arith.constant 1.000000e+00 : f32
    %broadcast_in_dim3A_36 = vector.broadcast %broadcast_in_dim3A_35 : f32 to vector<16xf32>
    %swap3A_37 = arith.constant 80 : index
    %swap3A_38 = tpu.vector_load %arg6[%swap3A_37] {strides = array<i32>} : memref<128xf32, #tpu.memory_space<vmem>>, vector<16xf32>,
    %swap3A_39 = vector.shape_cast %swap3A_38 : vector<16xf32> to vector<16xf32>
    %swap3A_40 = vector.shape_cast %broadcast_in_dim3A_36 : vector<16xf32> to vector<16xf32>
    tpu.vector_store %arg6[%swap3A_37], %swap3A_40 {strides = array<i32>} : memref<128xf32, #tpu.memory_space<vmem>>, vector<16xf32>,
    %broadcast_in_dim3A_41 = arith.constant 1.000000e+00 : f32
    %broadcast_in_dim3A_42 = vector.broadcast %broadcast_in_dim3A_41 : f32 to vector<16xf32>
    %swap3A_43 = arith.constant 96 : index
    %swap3A_44 = tpu.vector_load %arg6[%swap3A_43] {strides = array<i32>} : memref<128xf32, #tpu.memory_space<vmem>>, vector<16xf32>,
    %swap3A_45 = vector.shape_cast %swap3A_44 : vector<16xf32> to vector<16xf32>
    %swap3A_46 = vector.shape_cast %broadcast_in_dim3A_42 : vector<16xf32> to vector<16xf32>
    tpu.vector_store %arg6[%swap3A_43], %swap3A_46 {strides = array<i32>} : memref<128xf32, #tpu.memory_space<vmem>>, vector<16xf32>,
    %broadcast_in_dim3A_47 = arith.constant 1.000000e+00 : f32
    %broadcast_in_dim3A_48 = vector.broadcast %broadcast_in_dim3A_47 : f32 to vector<16xf32>
    %swap3A_49 = arith.constant 112 : index
    %swap3A_50 = tpu.vector_load %arg6[%swap3A_49] {strides = array<i32>} : memref<128xf32, #tpu.memory_space<vmem>>, vector<16xf32>,
    %swap3A_51 = vector.shape_cast %swap3A_50 : vector<16xf32> to vector<16xf32>
    %swap3A_52 = vector.shape_cast %broadcast_in_dim3A_48 : vector<16xf32> to vector<16xf32>
    tpu.vector_store %arg6[%swap3A_49], %swap3A_52 {strides = array<i32>} : memref<128xf32, #tpu.memory_space<vmem>>, vector<16xf32>,
    %broadcast_in_dim3A_53 = arith.constant 0.000000e+00 : f32
    %broadcast_in_dim3A_54 = vector.broadcast %broadcast_in_dim3A_53 : f32 to vector<16xf32>
    %swap3A_55 = arith.constant 0 : index
    %swap3A_56 = tpu.vector_load %arg7[%swap3A_55] {strides = array<i32>} : memref<640xf32, #tpu.memory_space<vmem>>, vector<16xf32>,
    %swap3A_57 = vector.shape_cast %swap3A_56 : vector<16xf32> to vector<16xf32>
    %swap3A_58 = vector.shape_cast %broadcast_in_dim3A_54 : vector<16xf32> to vector<16xf32>
    tpu.vector_store %arg7[%swap3A_55], %swap3A_58 {strides = array<i32>} : memref<640xf32, #tpu.memory_space<vmem>>, vector<16xf32>,
    %broadcast_in_dim3A_59 = arith.constant 0.000000e+00 : f32
    %broadcast_in_dim3A_60 = vector.broadcast %broadcast_in_dim3A_59 : f32 to vector<16xf32>
    %swap3A_61 = arith.constant 16 : index
    %swap3A_62 = tpu.vector_load %arg7[%swap3A_61] {strides = array<i32>} : memref<640xf32, #tpu.memory_space<vmem>>, vector<16xf32>,
    %swap3A_63 = vector.shape_cast %swap3A_62 : vector<16xf32> to vector<16xf32>
    %swap3A_64 = vector.shape_cast %broadcast_in_dim3A_60 : vector<16xf32> to vector<16xf32>
    tpu.vector_store %arg7[%swap3A_61], %swap3A_64 {strides = array<i32>} : memref<640xf32, #tpu.memory_space<vmem>>, vector<16xf32>,
    %broadcast_in_dim3A_65 = arith.constant 0.000000e+00 : f32
    %broadcast_in_dim3A_66 = vector.broadcast %broadcast_in_dim3A_65 : f32 to vector<16xf32>
    %swap3A_67 = arith.constant 32 : index
    %swap3A_68 = tpu.vector_load %arg7[%swap3A_67] {strides = array<i32>} : memref<640xf32, #tpu.memory_space<vmem>>, vector<16xf32>,
    %swap3A_69 = vector.shape_cast %swap3A_68 : vector<16xf32> to vector<16xf32>
    %swap3A_70 = vector.shape_cast %broadcast_in_dim3A_66 : vector<16xf32> to vector<16xf32>
    tpu.vector_store %arg7[%swap3A_67], %swap3A_70 {strides = array<i32>} : memref<640xf32, #tpu.memory_space<vmem>>, vector<16xf32>,
    %broadcast_in_dim3A_71 = arith.constant 0.000000e+00 : f32
    %broadcast_in_dim3A_72 = vector.broadcast %broadcast_in_dim3A_71 : f32 to vector<16xf32>
    %swap3A_73 = arith.constant 48 : index
    %swap3A_74 = tpu.vector_load %arg7[%swap3A_73] {strides = array<i32>} : memref<640xf32, #tpu.memory_space<vmem>>, vector<16xf32>,
    %swap3A_75 = vector.shape_cast %swap3A_74 : vector<16xf32> to vector<16xf32>
    %swap3A_76 = vector.shape_cast %broadcast_in_dim3A_72 : vector<16xf32> to vector<16xf32>
    tpu.vector_store %arg7[%swap3A_73], %swap3A_76 {strides = array<i32>} : memref<640xf32, #tpu.memory_space<vmem>>, vector<16xf32>,
    %broadcast_in_dim3A_77 = arith.constant 0.000000e+00 : f32
    %broadcast_in_dim3A_78 = vector.broadcast %broadcast_in_dim3A_77 : f32 to vector<16xf32>
    %swap3A_79 = arith.constant 64 : index
    %swap3A_80 = tpu.vector_load %arg7[%swap3A_79] {strides = array<i32>} : memref<640xf32, #tpu.memory_space<vmem>>, vector<16xf32>,
    %swap3A_81 = vector.shape_cast %swap3A_80 : vector<16xf32> to vector<16xf32>
    %swap3A_82 = vector.shape_cast %broadcast_in_dim3A_78 : vector<16xf32> to vector<16xf32>
    tpu.vector_store %arg7[%swap3A_79], %swap3A_82 {strides = array<i32>} : memref<640xf32, #tpu.memory_space<vmem>>, vector<16xf32>,
    %broadcast_in_dim3A_83 = arith.constant 0.000000e+00 : f32
    %broadcast_in_dim3A_84 = vector.broadcast %broadcast_in_dim3A_83 : f32 to vector<16xf32>
    %swap3A_85 = arith.constant 80 : index
    %swap3A_86 = tpu.vector_load %arg7[%swap3A_85] {strides = array<i32>} : memref<640xf32, #tpu.memory_space<vmem>>, vector<16xf32>,
    %swap3A_87 = vector.shape_cast %swap3A_86 : vector<16xf32> to vector<16xf32>
    %swap3A_88 = vector.shape_cast %broadcast_in_dim3A_84 : vector<16xf32> to vector<16xf32>
    tpu.vector_store %arg7[%swap3A_85], %swap3A_88 {strides = array<i32>} : memref<640xf32, #tpu.memory_space<vmem>>, vector<16xf32>,
    %broadcast_in_dim3A_89 = arith.constant 0.000000e+00 : f32
    %broadcast_in_dim3A_90 = vector.broadcast %broadcast_in_dim3A_89 : f32 to vector<16xf32>
    %swap3A_91 = arith.constant 96 : index
    %swap3A_92 = tpu.vector_load %arg7[%swap3A_91] {strides = array<i32>} : memref<640xf32, #tpu.memory_space<vmem>>, vector<16xf32>,
    %swap3A_93 = vector.shape_cast %swap3A_92 : vector<16xf32> to vector<16xf32>
    %swap3A_94 = vector.shape_cast %broadcast_in_dim3A_90 : vector<16xf32> to vector<16xf32>
    tpu.vector_store %arg7[%swap3A_91], %swap3A_94 {strides = array<i32>} : memref<640xf32, #tpu.memory_space<vmem>>, vector<16xf32>,
    %broadcast_in_dim3A_95 = arith.constant 0.000000e+00 : f32
    %broadcast_in_dim3A_96 = vector.broadcast %broadcast_in_dim3A_95 : f32 to vector<16xf32>
    %swap3A_97 = arith.constant 112 : index
    %swap3A_98 = tpu.vector_load %arg7[%swap3A_97] {strides = array<i32>} : memref<640xf32, #tpu.memory_space<vmem>>, vector<16xf32>,
    %swap3A_99 = vector.shape_cast %swap3A_98 : vector<16xf32> to vector<16xf32>
    %swap3A_100 = vector.shape_cast %broadcast_in_dim3A_96 : vector<16xf32> to vector<16xf32>
    tpu.vector_store %arg7[%swap3A_97], %swap3A_100 {strides = array<i32>} : memref<640xf32, #tpu.memory_space<vmem>>, vector<16xf32>,
    %broadcast_in_dim3A_101 = arith.constant 0.000000e+00 : f32
    %broadcast_in_dim3A_102 = vector.broadcast %broadcast_in_dim3A_101 : f32 to vector<16xf32>
    %swap3A_103 = arith.constant 128 : index
    %swap3A_104 = tpu.vector_load %arg7[%swap3A_103] {strides = array<i32>} : memref<640xf32, #tpu.memory_space<vmem>>, vector<16xf32>,
    %swap3A_105 = vector.shape_cast %swap3A_104 : vector<16xf32> to vector<16xf32>
    %swap3A_106 = vector.shape_cast %broadcast_in_dim3A_102 : vector<16xf32> to vector<16xf32>
    tpu.vector_store %arg7[%swap3A_103], %swap3A_106 {strides = array<i32>} : memref<640xf32, #tpu.memory_space<vmem>>, vector<16xf32>,
    %broadcast_in_dim3A_107 = arith.constant 0.000000e+00 : f32
    %broadcast_in_dim3A_108 = vector.broadcast %broadcast_in_dim3A_107 : f32 to vector<16xf32>
    %swap3A_109 = arith.constant 144 : index
    %swap3A_110 = tpu.vector_load %arg7[%swap3A_109] {strides = array<i32>} : memref<640xf32, #tpu.memory_space<vmem>>, vector<16xf32>,
    %swap3A_111 = vector.shape_cast %swap3A_110 : vector<16xf32> to vector<16xf32>
    %swap3A_112 = vector.shape_cast %broadcast_in_dim3A_108 : vector<16xf32> to vector<16xf32>
    tpu.vector_store %arg7[%swap3A_109], %swap3A_112 {strides = array<i32>} : memref<640xf32, #tpu.memory_space<vmem>>, vector<16xf32>,
    %broadcast_in_dim3A_113 = arith.constant 0.000000e+00 : f32
    %broadcast_in_dim3A_114 = vector.broadcast %broadcast_in_dim3A_113 : f32 to vector<16xf32>
    %swap3A_115 = arith.constant 160 : index
    %swap3A_116 = tpu.vector_load %arg7[%swap3A_115] {strides = array<i32>} : memref<640xf32, #tpu.memory_space<vmem>>, vector<16xf32>,
    %swap3A_117 = vector.shape_cast %swap3A_116 : vector<16xf32> to vector<16xf32>
    %swap3A_118 = vector.shape_cast %broadcast_in_dim3A_114 : vector<16xf32> to vector<16xf32>
    tpu.vector_store %arg7[%swap3A_115], %swap3A_118 {strides = array<i32>} : memref<640xf32, #tpu.memory_space<vmem>>, vector<16xf32>,
    %broadcast_in_dim3A_119 = arith.constant 0.000000e+00 : f32
    %broadcast_in_dim3A_120 = vector.broadcast %broadcast_in_dim3A_119 : f32 to vector<16xf32>
    %swap3A_121 = arith.constant 176 : index
    %swap3A_122 = tpu.vector_load %arg7[%swap3A_121] {strides = array<i32>} : memref<640xf32, #tpu.memory_space<vmem>>, vector<16xf32>,
    %swap3A_123 = vector.shape_cast %swap3A_122 : vector<16xf32> to vector<16xf32>
    %swap3A_124 = vector.shape_cast %broadcast_in_dim3A_120 : vector<16xf32> to vector<16xf32>
    tpu.vector_store %arg7[%swap3A_121], %swap3A_124 {strides = array<i32>} : memref<640xf32, #tpu.memory_space<vmem>>, vector<16xf32>,
    %broadcast_in_dim3A_125 = arith.constant 0.000000e+00 : f32
    %broadcast_in_dim3A_126 = vector.broadcast %broadcast_in_dim3A_125 : f32 to vector<16xf32>
    %swap3A_127 = arith.constant 192 : index
    %swap3A_128 = tpu.vector_load %arg7[%swap3A_127] {strides = array<i32>} : memref<640xf32, #tpu.memory_space<vmem>>, vector<16xf32>,
    %swap3A_129 = vector.shape_cast %swap3A_128 : vector<16xf32> to vector<16xf32>
    %swap3A_130 = vector.shape_cast %broadcast_in_dim3A_126 : vector<16xf32> to vector<16xf32>
    tpu.vector_store %arg7[%swap3A_127], %swap3A_130 {strides = array<i32>} : memref<640xf32, #tpu.memory_space<vmem>>, vector<16xf32>,
    %broadcast_in_dim3A_131 = arith.constant 0.000000e+00 : f32
    %broadcast_in_dim3A_132 = vector.broadcast %broadcast_in_dim3A_131 : f32 to vector<16xf32>
    %swap3A_133 = arith.constant 208 : index
    %swap3A_134 = tpu.vector_load %arg7[%swap3A_133] {strides = array<i32>} : memref<640xf32, #tpu.memory_space<vmem>>, vector<16xf32>,
    %swap3A_135 = vector.shape_cast %swap3A_134 : vector<16xf32> to vector<16xf32>
    %swap3A_136 = vector.shape_cast %broadcast_in_dim3A_132 : vector<16xf32> to vector<16xf32>
    tpu.vector_store %arg7[%swap3A_133], %swap3A_136 {strides = array<i32>} : memref<640xf32, #tpu.memory_space<vmem>>, vector<16xf32>,
    %broadcast_in_dim3A_137 = arith.constant 0.000000e+00 : f32
    %broadcast_in_dim3A_138 = vector.broadcast %broadcast_in_dim3A_137 : f32 to vector<16xf32>
    %swap3A_139 = arith.constant 224 : index
    %swap3A_140 = tpu.vector_load %arg7[%swap3A_139] {strides = array<i32>} : memref<640xf32, #tpu.memory_space<vmem>>, vector<16xf32>,
    %swap3A_141 = vector.shape_cast %swap3A_140 : vector<16xf32> to vector<16xf32>
    %swap3A_142 = vector.shape_cast %broadcast_in_dim3A_138 : vector<16xf32> to vector<16xf32>
    tpu.vector_store %arg7[%swap3A_139], %swap3A_142 {strides = array<i32>} : memref<640xf32, #tpu.memory_space<vmem>>, vector<16xf32>,
    %broadcast_in_dim3A_143 = arith.constant 0.000000e+00 : f32
    %broadcast_in_dim3A_144 = vector.broadcast %broadcast_in_dim3A_143 : f32 to vector<16xf32>
    %swap3A_145 = arith.constant 240 : index
    %swap3A_146 = tpu.vector_load %arg7[%swap3A_145] {strides = array<i32>} : memref<640xf32, #tpu.memory_space<vmem>>, vector<16xf32>,
    %swap3A_147 = vector.shape_cast %swap3A_146 : vector<16xf32> to vector<16xf32>
    %swap3A_148 = vector.shape_cast %broadcast_in_dim3A_144 : vector<16xf32> to vector<16xf32>
    tpu.vector_store %arg7[%swap3A_145], %swap3A_148 {strides = array<i32>} : memref<640xf32, #tpu.memory_space<vmem>>, vector<16xf32>,
    %broadcast_in_dim3A_149 = arith.constant 0.000000e+00 : f32
    %broadcast_in_dim3A_150 = vector.broadcast %broadcast_in_dim3A_149 : f32 to vector<16xf32>
    %swap3A_151 = arith.constant 256 : index
    %swap3A_152 = tpu.vector_load %arg7[%swap3A_151] {strides = array<i32>} : memref<640xf32, #tpu.memory_space<vmem>>, vector<16xf32>,
    %swap3A_153 = vector.shape_cast %swap3A_152 : vector<16xf32> to vector<16xf32>
    %swap3A_154 = vector.shape_cast %broadcast_in_dim3A_150 : vector<16xf32> to vector<16xf32>
    tpu.vector_store %arg7[%swap3A_151], %swap3A_154 {strides = array<i32>} : memref<640xf32, #tpu.memory_space<vmem>>, vector<16xf32>,
    %broadcast_in_dim3A_155 = arith.constant 0.000000e+00 : f32
    %broadcast_in_dim3A_156 = vector.broadcast %broadcast_in_dim3A_155 : f32 to vector<16xf32>
    %swap3A_157 = arith.constant 272 : index
    %swap3A_158 = tpu.vector_load %arg7[%swap3A_157] {strides = array<i32>} : memref<640xf32, #tpu.memory_space<vmem>>, vector<16xf32>,
    %swap3A_159 = vector.shape_cast %swap3A_158 : vector<16xf32> to vector<16xf32>
    %swap3A_160 = vector.shape_cast %broadcast_in_dim3A_156 : vector<16xf32> to vector<16xf32>
    tpu.vector_store %arg7[%swap3A_157], %swap3A_160 {strides = array<i32>} : memref<640xf32, #tpu.memory_space<vmem>>, vector<16xf32>,
    %broadcast_in_dim3A_161 = arith.constant 0.000000e+00 : f32
    %broadcast_in_dim3A_162 = vector.broadcast %broadcast_in_dim3A_161 : f32 to vector<16xf32>
    %swap3A_163 = arith.constant 288 : index
    %swap3A_164 = tpu.vector_load %arg7[%swap3A_163] {strides = array<i32>} : memref<640xf32, #tpu.memory_space<vmem>>, vector<16xf32>,
    %swap3A_165 = vector.shape_cast %swap3A_164 : vector<16xf32> to vector<16xf32>
    %swap3A_166 = vector.shape_cast %broadcast_in_dim3A_162 : vector<16xf32> to vector<16xf32>
    tpu.vector_store %arg7[%swap3A_163], %swap3A_166 {strides = array<i32>} : memref<640xf32, #tpu.memory_space<vmem>>, vector<16xf32>,
    %broadcast_in_dim3A_167 = arith.constant 0.000000e+00 : f32
    %broadcast_in_dim3A_168 = vector.broadcast %broadcast_in_dim3A_167 : f32 to vector<16xf32>
    %swap3A_169 = arith.constant 304 : index
    %swap3A_170 = tpu.vector_load %arg7[%swap3A_169] {strides = array<i32>} : memref<640xf32, #tpu.memory_space<vmem>>, vector<16xf32>,
    %swap3A_171 = vector.shape_cast %swap3A_170 : vector<16xf32> to vector<16xf32>
    %swap3A_172 = vector.shape_cast %broadcast_in_dim3A_168 : vector<16xf32> to vector<16xf32>
    tpu.vector_store %arg7[%swap3A_169], %swap3A_172 {strides = array<i32>} : memref<640xf32, #tpu.memory_space<vmem>>, vector<16xf32>,
    %broadcast_in_dim3A_173 = arith.constant 0.000000e+00 : f32
    %broadcast_in_dim3A_174 = vector.broadcast %broadcast_in_dim3A_173 : f32 to vector<16xf32>
    %swap3A_175 = arith.constant 320 : index
    %swap3A_176 = tpu.vector_load %arg7[%swap3A_175] {strides = array<i32>} : memref<640xf32, #tpu.memory_space<vmem>>, vector<16xf32>,
    %swap3A_177 = vector.shape_cast %swap3A_176 : vector<16xf32> to vector<16xf32>
    %swap3A_178 = vector.shape_cast %broadcast_in_dim3A_174 : vector<16xf32> to vector<16xf32>
    tpu.vector_store %arg7[%swap3A_175], %swap3A_178 {strides = array<i32>} : memref<640xf32, #tpu.memory_space<vmem>>, vector<16xf32>,
    %broadcast_in_dim3A_179 = arith.constant 0.000000e+00 : f32
    %broadcast_in_dim3A_180 = vector.broadcast %broadcast_in_dim3A_179 : f32 to vector<16xf32>
    %swap3A_181 = arith.constant 336 : index
    %swap3A_182 = tpu.vector_load %arg7[%swap3A_181] {strides = array<i32>} : memref<640xf32, #tpu.memory_space<vmem>>, vector<16xf32>,
    %swap3A_183 = vector.shape_cast %swap3A_182 : vector<16xf32> to vector<16xf32>
    %swap3A_184 = vector.shape_cast %broadcast_in_dim3A_180 : vector<16xf32> to vector<16xf32>
    tpu.vector_store %arg7[%swap3A_181], %swap3A_184 {strides = array<i32>} : memref<640xf32, #tpu.memory_space<vmem>>, vector<16xf32>,
    %broadcast_in_dim3A_185 = arith.constant 0.000000e+00 : f32
    %broadcast_in_dim3A_186 = vector.broadcast %broadcast_in_dim3A_185 : f32 to vector<16xf32>
    %swap3A_187 = arith.constant 352 : index
    %swap3A_188 = tpu.vector_load %arg7[%swap3A_187] {strides = array<i32>} : memref<640xf32, #tpu.memory_space<vmem>>, vector<16xf32>,
    %swap3A_189 = vector.shape_cast %swap3A_188 : vector<16xf32> to vector<16xf32>
    %swap3A_190 = vector.shape_cast %broadcast_in_dim3A_186 : vector<16xf32> to vector<16xf32>
    tpu.vector_store %arg7[%swap3A_187], %swap3A_190 {strides = array<i32>} : memref<640xf32, #tpu.memory_space<vmem>>, vector<16xf32>,
    %broadcast_in_dim3A_191 = arith.constant 0.000000e+00 : f32
    %broadcast_in_dim3A_192 = vector.broadcast %broadcast_in_dim3A_191 : f32 to vector<16xf32>
    %swap3A_193 = arith.constant 368 : index
    %swap3A_194 = tpu.vector_load %arg7[%swap3A_193] {strides = array<i32>} : memref<640xf32, #tpu.memory_space<vmem>>, vector<16xf32>,
    %swap3A_195 = vector.shape_cast %swap3A_194 : vector<16xf32> to vector<16xf32>
    %swap3A_196 = vector.shape_cast %broadcast_in_dim3A_192 : vector<16xf32> to vector<16xf32>
    tpu.vector_store %arg7[%swap3A_193], %swap3A_196 {strides = array<i32>} : memref<640xf32, #tpu.memory_space<vmem>>, vector<16xf32>,
    %broadcast_in_dim3A_197 = arith.constant 0.000000e+00 : f32
    %broadcast_in_dim3A_198 = vector.broadcast %broadcast_in_dim3A_197 : f32 to vector<16xf32>
    %swap3A_199 = arith.constant 384 : index
    %swap3A_200 = tpu.vector_load %arg7[%swap3A_199] {strides = array<i32>} : memref<640xf32, #tpu.memory_space<vmem>>, vector<16xf32>,
    %swap3A_201 = vector.shape_cast %swap3A_200 : vector<16xf32> to vector<16xf32>
    %swap3A_202 = vector.shape_cast %broadcast_in_dim3A_198 : vector<16xf32> to vector<16xf32>
    tpu.vector_store %arg7[%swap3A_199], %swap3A_202 {strides = array<i32>} : memref<640xf32, #tpu.memory_space<vmem>>, vector<16xf32>,
    %broadcast_in_dim3A_203 = arith.constant 0.000000e+00 : f32
    %broadcast_in_dim3A_204 = vector.broadcast %broadcast_in_dim3A_203 : f32 to vector<16xf32>
    %swap3A_205 = arith.constant 400 : index
    %swap3A_206 = tpu.vector_load %arg7[%swap3A_205] {strides = array<i32>} : memref<640xf32, #tpu.memory_space<vmem>>, vector<16xf32>,
    %swap3A_207 = vector.shape_cast %swap3A_206 : vector<16xf32> to vector<16xf32>
    %swap3A_208 = vector.shape_cast %broadcast_in_dim3A_204 : vector<16xf32> to vector<16xf32>
    tpu.vector_store %arg7[%swap3A_205], %swap3A_208 {strides = array<i32>} : memref<640xf32, #tpu.memory_space<vmem>>, vector<16xf32>,
    %broadcast_in_dim3A_209 = arith.constant 0.000000e+00 : f32
    %broadcast_in_dim3A_210 = vector.broadcast %broadcast_in_dim3A_209 : f32 to vector<16xf32>
    %swap3A_211 = arith.constant 416 : index
    %swap3A_212 = tpu.vector_load %arg7[%swap3A_211] {strides = array<i32>} : memref<640xf32, #tpu.memory_space<vmem>>, vector<16xf32>,
    %swap3A_213 = vector.shape_cast %swap3A_212 : vector<16xf32> to vector<16xf32>
    %swap3A_214 = vector.shape_cast %broadcast_in_dim3A_210 : vector<16xf32> to vector<16xf32>
    tpu.vector_store %arg7[%swap3A_211], %swap3A_214 {strides = array<i32>} : memref<640xf32, #tpu.memory_space<vmem>>, vector<16xf32>,
    %broadcast_in_dim3A_215 = arith.constant 0.000000e+00 : f32
    %broadcast_in_dim3A_216 = vector.broadcast %broadcast_in_dim3A_215 : f32 to vector<16xf32>
    %swap3A_217 = arith.constant 432 : index
    %swap3A_218 = tpu.vector_load %arg7[%swap3A_217] {strides = array<i32>} : memref<640xf32, #tpu.memory_space<vmem>>, vector<16xf32>,
    %swap3A_219 = vector.shape_cast %swap3A_218 : vector<16xf32> to vector<16xf32>
    %swap3A_220 = vector.shape_cast %broadcast_in_dim3A_216 : vector<16xf32> to vector<16xf32>
    tpu.vector_store %arg7[%swap3A_217], %swap3A_220 {strides = array<i32>} : memref<640xf32, #tpu.memory_space<vmem>>, vector<16xf32>,
    %broadcast_in_dim3A_221 = arith.constant 0.000000e+00 : f32
    %broadcast_in_dim3A_222 = vector.broadcast %broadcast_in_dim3A_221 : f32 to vector<16xf32>
    %swap3A_223 = arith.constant 448 : index
    %swap3A_224 = tpu.vector_load %arg7[%swap3A_223] {strides = array<i32>} : memref<640xf32, #tpu.memory_space<vmem>>, vector<16xf32>,
    %swap3A_225 = vector.shape_cast %swap3A_224 : vector<16xf32> to vector<16xf32>
    %swap3A_226 = vector.shape_cast %broadcast_in_dim3A_222 : vector<16xf32> to vector<16xf32>
    tpu.vector_store %arg7[%swap3A_223], %swap3A_226 {strides = array<i32>} : memref<640xf32, #tpu.memory_space<vmem>>, vector<16xf32>,
    %broadcast_in_dim3A_227 = arith.constant 0.000000e+00 : f32
    %broadcast_in_dim3A_228 = vector.broadcast %broadcast_in_dim3A_227 : f32 to vector<16xf32>
    %swap3A_229 = arith.constant 464 : index
    %swap3A_230 = tpu.vector_load %arg7[%swap3A_229] {strides = array<i32>} : memref<640xf32, #tpu.memory_space<vmem>>, vector<16xf32>,
    %swap3A_231 = vector.shape_cast %swap3A_230 : vector<16xf32> to vector<16xf32>
    %swap3A_232 = vector.shape_cast %broadcast_in_dim3A_228 : vector<16xf32> to vector<16xf32>
    tpu.vector_store %arg7[%swap3A_229], %swap3A_232 {strides = array<i32>} : memref<640xf32, #tpu.memory_space<vmem>>, vector<16xf32>,
    %broadcast_in_dim3A_233 = arith.constant 0.000000e+00 : f32
    %broadcast_in_dim3A_234 = vector.broadcast %broadcast_in_dim3A_233 : f32 to vector<16xf32>
    %swap3A_235 = arith.constant 480 : index
    %swap3A_236 = tpu.vector_load %arg7[%swap3A_235] {strides = array<i32>} : memref<640xf32, #tpu.memory_space<vmem>>, vector<16xf32>,
    %swap3A_237 = vector.shape_cast %swap3A_236 : vector<16xf32> to vector<16xf32>
    %swap3A_238 = vector.shape_cast %broadcast_in_dim3A_234 : vector<16xf32> to vector<16xf32>
    tpu.vector_store %arg7[%swap3A_235], %swap3A_238 {strides = array<i32>} : memref<640xf32, #tpu.memory_space<vmem>>, vector<16xf32>,
    %broadcast_in_dim3A_239 = arith.constant 0.000000e+00 : f32
    %broadcast_in_dim3A_240 = vector.broadcast %broadcast_in_dim3A_239 : f32 to vector<16xf32>
    %swap3A_241 = arith.constant 496 : index
    %swap3A_242 = tpu.vector_load %arg7[%swap3A_241] {strides = array<i32>} : memref<640xf32, #tpu.memory_space<vmem>>, vector<16xf32>,
    %swap3A_243 = vector.shape_cast %swap3A_242 : vector<16xf32> to vector<16xf32>
    %swap3A_244 = vector.shape_cast %broadcast_in_dim3A_240 : vector<16xf32> to vector<16xf32>
    tpu.vector_store %arg7[%swap3A_241], %swap3A_244 {strides = array<i32>} : memref<640xf32, #tpu.memory_space<vmem>>, vector<16xf32>,
    %broadcast_in_dim3A_245 = arith.constant 0.000000e+00 : f32
    %broadcast_in_dim3A_246 = vector.broadcast %broadcast_in_dim3A_245 : f32 to vector<16xf32>
    %swap3A_247 = arith.constant 512 : index
    %swap3A_248 = tpu.vector_load %arg7[%swap3A_247] {strides = array<i32>} : memref<640xf32, #tpu.memory_space<vmem>>, vector<16xf32>,
    %swap3A_249 = vector.shape_cast %swap3A_248 : vector<16xf32> to vector<16xf32>
    %swap3A_250 = vector.shape_cast %broadcast_in_dim3A_246 : vector<16xf32> to vector<16xf32>
    tpu.vector_store %arg7[%swap3A_247], %swap3A_250 {strides = array<i32>} : memref<640xf32, #tpu.memory_space<vmem>>, vector<16xf32>,
    %broadcast_in_dim3A_251 = arith.constant 0.000000e+00 : f32
    %broadcast_in_dim3A_252 = vector.broadcast %broadcast_in_dim3A_251 : f32 to vector<16xf32>
    %swap3A_253 = arith.constant 528 : index
    %swap3A_254 = tpu.vector_load %arg7[%swap3A_253] {strides = array<i32>} : memref<640xf32, #tpu.memory_space<vmem>>, vector<16xf32>,
    %swap3A_255 = vector.shape_cast %swap3A_254 : vector<16xf32> to vector<16xf32>
    %swap3A_256 = vector.shape_cast %broadcast_in_dim3A_252 : vector<16xf32> to vector<16xf32>
    tpu.vector_store %arg7[%swap3A_253], %swap3A_256 {strides = array<i32>} : memref<640xf32, #tpu.memory_space<vmem>>, vector<16xf32>,
    %broadcast_in_dim3A_257 = arith.constant 0.000000e+00 : f32
    %broadcast_in_dim3A_258 = vector.broadcast %broadcast_in_dim3A_257 : f32 to vector<16xf32>
    %swap3A_259 = arith.constant 544 : index
    %swap3A_260 = tpu.vector_load %arg7[%swap3A_259] {strides = array<i32>} : memref<640xf32, #tpu.memory_space<vmem>>, vector<16xf32>,
    %swap3A_261 = vector.shape_cast %swap3A_260 : vector<16xf32> to vector<16xf32>
    %swap3A_262 = vector.shape_cast %broadcast_in_dim3A_258 : vector<16xf32> to vector<16xf32>
    tpu.vector_store %arg7[%swap3A_259], %swap3A_262 {strides = array<i32>} : memref<640xf32, #tpu.memory_space<vmem>>, vector<16xf32>,
    %broadcast_in_dim3A_263 = arith.constant 0.000000e+00 : f32
    %broadcast_in_dim3A_264 = vector.broadcast %broadcast_in_dim3A_263 : f32 to vector<16xf32>
    %swap3A_265 = arith.constant 560 : index
    %swap3A_266 = tpu.vector_load %arg7[%swap3A_265] {strides = array<i32>} : memref<640xf32, #tpu.memory_space<vmem>>, vector<16xf32>,
    %swap3A_267 = vector.shape_cast %swap3A_266 : vector<16xf32> to vector<16xf32>
    %swap3A_268 = vector.shape_cast %broadcast_in_dim3A_264 : vector<16xf32> to vector<16xf32>
    tpu.vector_store %arg7[%swap3A_265], %swap3A_268 {strides = array<i32>} : memref<640xf32, #tpu.memory_space<vmem>>, vector<16xf32>,
    %broadcast_in_dim3A_269 = arith.constant 0.000000e+00 : f32
    %broadcast_in_dim3A_270 = vector.broadcast %broadcast_in_dim3A_269 : f32 to vector<16xf32>
    %swap3A_271 = arith.constant 576 : index
    %swap3A_272 = tpu.vector_load %arg7[%swap3A_271] {strides = array<i32>} : memref<640xf32, #tpu.memory_space<vmem>>, vector<16xf32>,
    %swap3A_273 = vector.shape_cast %swap3A_272 : vector<16xf32> to vector<16xf32>
    %swap3A_274 = vector.shape_cast %broadcast_in_dim3A_270 : vector<16xf32> to vector<16xf32>
    tpu.vector_store %arg7[%swap3A_271], %swap3A_274 {strides = array<i32>} : memref<640xf32, #tpu.memory_space<vmem>>, vector<16xf32>,
    %broadcast_in_dim3A_275 = arith.constant 0.000000e+00 : f32
    %broadcast_in_dim3A_276 = vector.broadcast %broadcast_in_dim3A_275 : f32 to vector<16xf32>
    %swap3A_277 = arith.constant 592 : index
    %swap3A_278 = tpu.vector_load %arg7[%swap3A_277] {strides = array<i32>} : memref<640xf32, #tpu.memory_space<vmem>>, vector<16xf32>,
    %swap3A_279 = vector.shape_cast %swap3A_278 : vector<16xf32> to vector<16xf32>
    %swap3A_280 = vector.shape_cast %broadcast_in_dim3A_276 : vector<16xf32> to vector<16xf32>
    tpu.vector_store %arg7[%swap3A_277], %swap3A_280 {strides = array<i32>} : memref<640xf32, #tpu.memory_space<vmem>>, vector<16xf32>,
    %broadcast_in_dim3A_281 = arith.constant 0.000000e+00 : f32
    %broadcast_in_dim3A_282 = vector.broadcast %broadcast_in_dim3A_281 : f32 to vector<16xf32>
    %swap3A_283 = arith.constant 608 : index
    %swap3A_284 = tpu.vector_load %arg7[%swap3A_283] {strides = array<i32>} : memref<640xf32, #tpu.memory_space<vmem>>, vector<16xf32>,
    %swap3A_285 = vector.shape_cast %swap3A_284 : vector<16xf32> to vector<16xf32>
    %swap3A_286 = vector.shape_cast %broadcast_in_dim3A_282 : vector<16xf32> to vector<16xf32>
    tpu.vector_store %arg7[%swap3A_283], %swap3A_286 {strides = array<i32>} : memref<640xf32, #tpu.memory_space<vmem>>, vector<16xf32>,
    %broadcast_in_dim3A_287 = arith.constant 0.000000e+00 : f32
    %broadcast_in_dim3A_288 = vector.broadcast %broadcast_in_dim3A_287 : f32 to vector<16xf32>
    %swap3A_289 = arith.constant 624 : index
    %swap3A_290 = tpu.vector_load %arg7[%swap3A_289] {strides = array<i32>} : memref<640xf32, #tpu.memory_space<vmem>>, vector<16xf32>,
    %swap3A_291 = vector.shape_cast %swap3A_290 : vector<16xf32> to vector<16xf32>
    %swap3A_292 = vector.shape_cast %broadcast_in_dim3A_288 : vector<16xf32> to vector<16xf32>
    tpu.vector_store %arg7[%swap3A_289], %swap3A_292 {strides = array<i32>} : memref<640xf32, #tpu.memory_space<vmem>>, vector<16xf32>,
    %mul3A_293 = arith.constant 640 : i32
    %mul3A_294 = arith.muli %arg1, %mul3A_293 : i32
    "tpu.region"() ({
      %run_scoped3A = tpu.sem_alloc : memref<!tpu.dma_semaphore, #tpu.memory_space<semaphore_mem>>
      %dma_start3A = tpu.memref_slice %arg8[%mul3A_294] : memref<10240xf32, #tpu.memory_space<vmem_shared>> -> memref<640xf32, #tpu.memory_space<vmem_shared>>
      %dma_start3A_311 = tpu.memref_slice %arg8[%mul3A_294] : memref<10240xf32, #tpu.memory_space<vmem_shared>> -> memref<640xf32, #tpu.memory_space<vmem_shared>>
      tpu.enqueue_dma source(%arg7 : memref<640xf32, #tpu.memory_space<vmem>>) target(%dma_start3A_311 : memref<640xf32, #tpu.memory_space<vmem_shared>>) target_semaphore(%run_scoped3A : memref<!tpu.dma_semaphore, #tpu.memory_space<semaphore_mem>>)
      %dma_wait3A_312 = tpu.memref_slice %arg8[%mul3A_294] : memref<10240xf32, #tpu.memory_space<vmem_shared>> -> memref<640xf32, #tpu.memory_space<vmem_shared>>
      %dma_wait3A_313 = tpu.memref_slice %arg8[%mul3A_294] : memref<10240xf32, #tpu.memory_space<vmem_shared>> -> memref<640xf32, #tpu.memory_space<vmem_shared>>
      tpu.wait_dma2 semaphore(%run_scoped3A : memref<!tpu.dma_semaphore, #tpu.memory_space<semaphore_mem>>) src(%arg7 : memref<640xf32, #tpu.memory_space<vmem>>) dst(%dma_wait3A_313 : memref<640xf32, #tpu.memory_space<vmem_shared>>)
      tpu.yield
    }) : () -> ()
    %barrier3A = arith.constant 0 : index
    tpu.barrier barrier_id(%barrier3A)
    %scan3A = arith.constant 0 : i32
    %scan3A_295 = arith.constant 0 : i32
    %scan3A_296 = arith.constant 80 : i32
    %scan3A_297 = arith.addi %scan3A_295, %scan3A_296 : i32
    %scan3A_298 = arith.constant 1 : i32
    scf.for %scan3A_311 = %scan3A_295 to %scan3A_297 step %scan3A_298  : i32 {
      %mul3A_312 = arith.constant 128 : i32
      %mul3A_313 = arith.muli %scan3A_311, %mul3A_312 : i32
      %dma_start3A = tpu.memref_slice %arg5[%mul3A_313] : memref<10240xi32, #tpu.memory_space<vmem>> -> memref<128xi32, #tpu.memory_space<vmem>>
      %dma_start3A_314 = arith.constant 0 : i32
      %dma_start3A_315 = tpu.memref_slice %arg8[%dma_start3A_314] : memref<10240xf32, #tpu.memory_space<vmem_shared>> -> memref<10240xf32, #tpu.memory_space<vmem_shared>>
      tpu.enqueue_indirect_dma source(%arg6 : memref<128xf32, #tpu.memory_space<vmem>>) target(%dma_start3A_315 : memref<10240xf32, #tpu.memory_space<vmem_shared>>) offsets(%dma_start3A : memref<128xi32, #tpu.memory_space<vmem>>) semaphore(%arg9 : memref<!tpu.dma_semaphore, #tpu.memory_space<semaphore_mem>>) {add = true}
    }
    %scan3A_299 = arith.constant 80 : i32
    %dma_wait3A = arith.constant 1 : i32
    %dma_wait3A_300 = arith.constant 0 : i32
    %dma_wait3A_301 = tpu.memref_slice %arg3[%dma_wait3A, %dma_wait3A_300] : memref<2x10240xi32, #tpu.memory_space<hbm>> -> memref<1x10240xi32, #tpu.memory_space<hbm>>
    %dma_wait3A_302 = tpu.memref_squeeze %dma_wait3A_301 : memref<1x10240xi32, #tpu.memory_space<hbm>> -> memref<10240xi32, #tpu.memory_space<hbm>>
    %dma_wait3A_303 = arith.constant 0 : i32
    %dma_wait3A_304 = tpu.memref_slice %arg3[%dma_wait3A, %dma_wait3A_303] : memref<2x10240xi32, #tpu.memory_space<hbm>> -> memref<1x10240xi32, #tpu.memory_space<hbm>>
    %dma_wait3A_305 = tpu.memref_squeeze %dma_wait3A_304 : memref<1x10240xi32, #tpu.memory_space<hbm>> -> memref<10240xi32, #tpu.memory_space<hbm>>
    tpu.wait_dma2 semaphore(%arg9 : memref<!tpu.dma_semaphore, #tpu.memory_space<semaphore_mem>>) src(%dma_wait3A_305 : memref<10240xi32, #tpu.memory_space<hbm>>) dst(%arg5 : memref<10240xi32, #tpu.memory_space<vmem>>)
    %barrier3A_306 = arith.constant 0 : index
    tpu.barrier barrier_id(%barrier3A_306)
    %mul3A_307 = arith.constant 640 : i32
    %mul3A_308 = arith.muli %arg1, %mul3A_307 : i32
    %mul3A_309 = arith.constant 640 : i32
    %mul3A_310 = arith.muli %arg1, %mul3A_309 : i32
    "tpu.region"() ({
      %run_scoped3A = tpu.sem_alloc : memref<!tpu.dma_semaphore, #tpu.memory_space<semaphore_mem>>
      %dma_start3A = tpu.memref_slice %arg4[%arg0, %mul3A_310] : memref<2x10240xf32, #tpu.memory_space<hbm>> -> memref<1x640xf32, #tpu.memory_space<hbm>>
      %dma_start3A_311 = tpu.memref_squeeze %dma_start3A : memref<1x640xf32, #tpu.memory_space<hbm>> -> memref<640xf32, #tpu.memory_space<hbm>>
      %dma_start3A_312 = tpu.memref_slice %arg8[%mul3A_308] : memref<10240xf32, #tpu.memory_space<vmem_shared>> -> memref<640xf32, #tpu.memory_space<vmem_shared>>
      tpu.enqueue_dma source(%dma_start3A_312 : memref<640xf32, #tpu.memory_space<vmem_shared>>) target(%dma_start3A_311 : memref<640xf32, #tpu.memory_space<hbm>>) target_semaphore(%run_scoped3A : memref<!tpu.dma_semaphore, #tpu.memory_space<semaphore_mem>>)
      %dma_wait3A_313 = tpu.memref_slice %arg4[%arg0, %mul3A_310] : memref<2x10240xf32, #tpu.memory_space<hbm>> -> memref<1x640xf32, #tpu.memory_space<hbm>>
      %dma_wait3A_314 = tpu.memref_squeeze %dma_wait3A_313 : memref<1x640xf32, #tpu.memory_space<hbm>> -> memref<640xf32, #tpu.memory_space<hbm>>
      %dma_wait3A_315 = tpu.memref_slice %arg8[%mul3A_308] : memref<10240xf32, #tpu.memory_space<vmem_shared>> -> memref<640xf32, #tpu.memory_space<vmem_shared>>
      tpu.wait_dma2 semaphore(%run_scoped3A : memref<!tpu.dma_semaphore, #tpu.memory_space<semaphore_mem>>) src(%dma_wait3A_315 : memref<640xf32, #tpu.memory_space<vmem_shared>>) dst(%dma_wait3A_314 : memref<640xf32, #tpu.memory_space<hbm>>)
      tpu.yield
    }) : () -> ()
    return
  }
}

#map = affine_map<(d0, d1) -> (0, 0)>
#map1 = affine_map<(d0, d1) -> (0, 0, 0)>
module attributes {stable_mosaic.version = 14 : i64} {
  func.func @scat_kernel(%arg0: i32, %arg1: i32, %arg2: memref<10240x128xf32, #tpu.memory_space<hbm>>, %arg3: memref<2x320000xi32, #tpu.memory_space<hbm>>, %arg4: memref<2x10240xi32, #tpu.memory_space<hbm>>, %arg5: memref<2x10240x128xf32, #tpu.memory_space<hbm>>, %arg6: memref<5120xi32, #tpu.memory_space<vmem>>, %arg7: memref<5120xi32, #tpu.memory_space<vmem>>, %arg8: memref<128x128xf32, #tpu.memory_space<vmem>>, %arg9: memref<128x128xf32, #tpu.memory_space<vmem>>, %arg10: memref<10240x128xf32, #tpu.memory_space<vmem_shared>>, %arg11: memref<!tpu.dma_semaphore, #tpu.memory_space<semaphore_mem>>, %arg12: memref<!tpu.dma_semaphore, #tpu.memory_space<semaphore_mem>>) attributes {dimension_semantics = [#tpu.dimension_semantics<core_parallel>, #tpu.dimension_semantics<subcore_parallel>], iteration_bounds = array<i64: 2, 16>, scalar_prefetch = 0 : i64, scratch_operands = 7 : i64, tpu.core_type = #tpu.core_type<sc_vector_subcore>, window_params = [{transform_indices = #map}, {transform_indices = #map}, {transform_indices = #map}, {transform_indices = #map1}]} {
    %mul3A = arith.constant 16 : i32
    %mul3A_0 = arith.muli %arg0, %mul3A : i32
    %add3A = arith.addi %mul3A_0, %arg1 : i32
    %scan3A = arith.constant 0 : i32
    %scan3A_1 = arith.constant 0 : i32
    %scan3A_2 = arith.constant 128 : i32
    %scan3A_3 = arith.addi %scan3A_1, %scan3A_2 : i32
    %scan3A_4 = arith.constant 1 : i32
    scf.for %scan3A_133 = %scan3A_1 to %scan3A_3 step %scan3A_4  : i32 {
      %broadcast_in_dim3A = arith.constant 0.000000e+00 : f32
      %broadcast_in_dim3A_134 = vector.broadcast %broadcast_in_dim3A : f32 to vector<16xf32>
      %swap3A = arith.index_cast %scan3A_133 : i32 to index
      %swap3A_135 = arith.constant 0 : index
      %swap3A_136 = tpu.vector_load %arg8[%swap3A, %swap3A_135] {strides = array<i32>} : memref<128x128xf32, #tpu.memory_space<vmem>>, vector<1x16xf32>,
      %swap3A_137 = vector.shape_cast %swap3A_136 : vector<1x16xf32> to vector<16xf32>
      %swap3A_138 = vector.shape_cast %broadcast_in_dim3A_134 : vector<16xf32> to vector<1x16xf32>
      tpu.vector_store %arg8[%swap3A, %swap3A_135], %swap3A_138 {strides = array<i32>} : memref<128x128xf32, #tpu.memory_space<vmem>>, vector<1x16xf32>,
      %broadcast_in_dim3A_139 = arith.constant 0.000000e+00 : f32
      %broadcast_in_dim3A_140 = vector.broadcast %broadcast_in_dim3A_139 : f32 to vector<16xf32>
      %swap3A_141 = arith.index_cast %scan3A_133 : i32 to index
      %swap3A_142 = arith.constant 16 : index
      %swap3A_143 = tpu.vector_load %arg8[%swap3A_141, %swap3A_142] {strides = array<i32>} : memref<128x128xf32, #tpu.memory_space<vmem>>, vector<1x16xf32>,
      %swap3A_144 = vector.shape_cast %swap3A_143 : vector<1x16xf32> to vector<16xf32>
      %swap3A_145 = vector.shape_cast %broadcast_in_dim3A_140 : vector<16xf32> to vector<1x16xf32>
      tpu.vector_store %arg8[%swap3A_141, %swap3A_142], %swap3A_145 {strides = array<i32>} : memref<128x128xf32, #tpu.memory_space<vmem>>, vector<1x16xf32>,
      %broadcast_in_dim3A_146 = arith.constant 0.000000e+00 : f32
      %broadcast_in_dim3A_147 = vector.broadcast %broadcast_in_dim3A_146 : f32 to vector<16xf32>
      %swap3A_148 = arith.index_cast %scan3A_133 : i32 to index
      %swap3A_149 = arith.constant 32 : index
      %swap3A_150 = tpu.vector_load %arg8[%swap3A_148, %swap3A_149] {strides = array<i32>} : memref<128x128xf32, #tpu.memory_space<vmem>>, vector<1x16xf32>,
      %swap3A_151 = vector.shape_cast %swap3A_150 : vector<1x16xf32> to vector<16xf32>
      %swap3A_152 = vector.shape_cast %broadcast_in_dim3A_147 : vector<16xf32> to vector<1x16xf32>
      tpu.vector_store %arg8[%swap3A_148, %swap3A_149], %swap3A_152 {strides = array<i32>} : memref<128x128xf32, #tpu.memory_space<vmem>>, vector<1x16xf32>,
      %broadcast_in_dim3A_153 = arith.constant 0.000000e+00 : f32
      %broadcast_in_dim3A_154 = vector.broadcast %broadcast_in_dim3A_153 : f32 to vector<16xf32>
      %swap3A_155 = arith.index_cast %scan3A_133 : i32 to index
      %swap3A_156 = arith.constant 48 : index
      %swap3A_157 = tpu.vector_load %arg8[%swap3A_155, %swap3A_156] {strides = array<i32>} : memref<128x128xf32, #tpu.memory_space<vmem>>, vector<1x16xf32>,
      %swap3A_158 = vector.shape_cast %swap3A_157 : vector<1x16xf32> to vector<16xf32>
      %swap3A_159 = vector.shape_cast %broadcast_in_dim3A_154 : vector<16xf32> to vector<1x16xf32>
      tpu.vector_store %arg8[%swap3A_155, %swap3A_156], %swap3A_159 {strides = array<i32>} : memref<128x128xf32, #tpu.memory_space<vmem>>, vector<1x16xf32>,
      %broadcast_in_dim3A_160 = arith.constant 0.000000e+00 : f32
      %broadcast_in_dim3A_161 = vector.broadcast %broadcast_in_dim3A_160 : f32 to vector<16xf32>
      %swap3A_162 = arith.index_cast %scan3A_133 : i32 to index
      %swap3A_163 = arith.constant 64 : index
      %swap3A_164 = tpu.vector_load %arg8[%swap3A_162, %swap3A_163] {strides = array<i32>} : memref<128x128xf32, #tpu.memory_space<vmem>>, vector<1x16xf32>,
      %swap3A_165 = vector.shape_cast %swap3A_164 : vector<1x16xf32> to vector<16xf32>
      %swap3A_166 = vector.shape_cast %broadcast_in_dim3A_161 : vector<16xf32> to vector<1x16xf32>
      tpu.vector_store %arg8[%swap3A_162, %swap3A_163], %swap3A_166 {strides = array<i32>} : memref<128x128xf32, #tpu.memory_space<vmem>>, vector<1x16xf32>,
      %broadcast_in_dim3A_167 = arith.constant 0.000000e+00 : f32
      %broadcast_in_dim3A_168 = vector.broadcast %broadcast_in_dim3A_167 : f32 to vector<16xf32>
      %swap3A_169 = arith.index_cast %scan3A_133 : i32 to index
      %swap3A_170 = arith.constant 80 : index
      %swap3A_171 = tpu.vector_load %arg8[%swap3A_169, %swap3A_170] {strides = array<i32>} : memref<128x128xf32, #tpu.memory_space<vmem>>, vector<1x16xf32>,
      %swap3A_172 = vector.shape_cast %swap3A_171 : vector<1x16xf32> to vector<16xf32>
      %swap3A_173 = vector.shape_cast %broadcast_in_dim3A_168 : vector<16xf32> to vector<1x16xf32>
      tpu.vector_store %arg8[%swap3A_169, %swap3A_170], %swap3A_173 {strides = array<i32>} : memref<128x128xf32, #tpu.memory_space<vmem>>, vector<1x16xf32>,
      %broadcast_in_dim3A_174 = arith.constant 0.000000e+00 : f32
      %broadcast_in_dim3A_175 = vector.broadcast %broadcast_in_dim3A_174 : f32 to vector<16xf32>
      %swap3A_176 = arith.index_cast %scan3A_133 : i32 to index
      %swap3A_177 = arith.constant 96 : index
      %swap3A_178 = tpu.vector_load %arg8[%swap3A_176, %swap3A_177] {strides = array<i32>} : memref<128x128xf32, #tpu.memory_space<vmem>>, vector<1x16xf32>,
      %swap3A_179 = vector.shape_cast %swap3A_178 : vector<1x16xf32> to vector<16xf32>
      %swap3A_180 = vector.shape_cast %broadcast_in_dim3A_175 : vector<16xf32> to vector<1x16xf32>
      tpu.vector_store %arg8[%swap3A_176, %swap3A_177], %swap3A_180 {strides = array<i32>} : memref<128x128xf32, #tpu.memory_space<vmem>>, vector<1x16xf32>,
      %broadcast_in_dim3A_181 = arith.constant 0.000000e+00 : f32
      %broadcast_in_dim3A_182 = vector.broadcast %broadcast_in_dim3A_181 : f32 to vector<16xf32>
      %swap3A_183 = arith.index_cast %scan3A_133 : i32 to index
      %swap3A_184 = arith.constant 112 : index
      %swap3A_185 = tpu.vector_load %arg8[%swap3A_183, %swap3A_184] {strides = array<i32>} : memref<128x128xf32, #tpu.memory_space<vmem>>, vector<1x16xf32>,
      %swap3A_186 = vector.shape_cast %swap3A_185 : vector<1x16xf32> to vector<16xf32>
      %swap3A_187 = vector.shape_cast %broadcast_in_dim3A_182 : vector<16xf32> to vector<1x16xf32>
      tpu.vector_store %arg8[%swap3A_183, %swap3A_184], %swap3A_187 {strides = array<i32>} : memref<128x128xf32, #tpu.memory_space<vmem>>, vector<1x16xf32>,
    }
    %scan3A_5 = arith.constant 128 : i32
    %mul3A_6 = arith.constant 640 : i32
    %mul3A_7 = arith.muli %arg1, %mul3A_6 : i32
    %add3A_8 = arith.constant 0 : i32
    %add3A_9 = arith.addi %mul3A_7, %add3A_8 : i32
    "tpu.region"() ({
      %run_scoped3A = tpu.sem_alloc : memref<!tpu.dma_semaphore, #tpu.memory_space<semaphore_mem>>
      %dma_start3A_133 = arith.constant 0 : i32
      %dma_start3A_134 = tpu.memref_slice %arg10[%add3A_9, %dma_start3A_133] : memref<10240x128xf32, #tpu.memory_space<vmem_shared>> -> memref<128x128xf32, #tpu.memory_space<vmem_shared>>
      %dma_start3A_135 = arith.constant 0 : i32
      %dma_start3A_136 = tpu.memref_slice %arg10[%add3A_9, %dma_start3A_135] : memref<10240x128xf32, #tpu.memory_space<vmem_shared>> -> memref<128x128xf32, #tpu.memory_space<vmem_shared>>
      tpu.enqueue_dma source(%arg8 : memref<128x128xf32, #tpu.memory_space<vmem>>) target(%dma_start3A_136 : memref<128x128xf32, #tpu.memory_space<vmem_shared>>) target_semaphore(%run_scoped3A : memref<!tpu.dma_semaphore, #tpu.memory_space<semaphore_mem>>)
      %dma_wait3A_137 = arith.constant 0 : i32
      %dma_wait3A_138 = tpu.memref_slice %arg10[%add3A_9, %dma_wait3A_137] : memref<10240x128xf32, #tpu.memory_space<vmem_shared>> -> memref<128x128xf32, #tpu.memory_space<vmem_shared>>
      %dma_wait3A_139 = arith.constant 0 : i32
      %dma_wait3A_140 = tpu.memref_slice %arg10[%add3A_9, %dma_wait3A_139] : memref<10240x128xf32, #tpu.memory_space<vmem_shared>> -> memref<128x128xf32, #tpu.memory_space<vmem_shared>>
      tpu.wait_dma2 semaphore(%run_scoped3A : memref<!tpu.dma_semaphore, #tpu.memory_space<semaphore_mem>>) src(%arg8 : memref<128x128xf32, #tpu.memory_space<vmem>>) dst(%dma_wait3A_140 : memref<128x128xf32, #tpu.memory_space<vmem_shared>>)
      tpu.yield
    }) : () -> ()
    %mul3A_10 = arith.constant 640 : i32
    %mul3A_11 = arith.muli %arg1, %mul3A_10 : i32
    %add3A_12 = arith.constant 128 : i32
    %add3A_13 = arith.addi %mul3A_11, %add3A_12 : i32
    "tpu.region"() ({
      %run_scoped3A = tpu.sem_alloc : memref<!tpu.dma_semaphore, #tpu.memory_space<semaphore_mem>>
      %dma_start3A_133 = arith.constant 0 : i32
      %dma_start3A_134 = tpu.memref_slice %arg10[%add3A_13, %dma_start3A_133] : memref<10240x128xf32, #tpu.memory_space<vmem_shared>> -> memref<128x128xf32, #tpu.memory_space<vmem_shared>>
      %dma_start3A_135 = arith.constant 0 : i32
      %dma_start3A_136 = tpu.memref_slice %arg10[%add3A_13, %dma_start3A_135] : memref<10240x128xf32, #tpu.memory_space<vmem_shared>> -> memref<128x128xf32, #tpu.memory_space<vmem_shared>>
      tpu.enqueue_dma source(%arg8 : memref<128x128xf32, #tpu.memory_space<vmem>>) target(%dma_start3A_136 : memref<128x128xf32, #tpu.memory_space<vmem_shared>>) target_semaphore(%run_scoped3A : memref<!tpu.dma_semaphore, #tpu.memory_space<semaphore_mem>>)
      %dma_wait3A_137 = arith.constant 0 : i32
      %dma_wait3A_138 = tpu.memref_slice %arg10[%add3A_13, %dma_wait3A_137] : memref<10240x128xf32, #tpu.memory_space<vmem_shared>> -> memref<128x128xf32, #tpu.memory_space<vmem_shared>>
      %dma_wait3A_139 = arith.constant 0 : i32
      %dma_wait3A_140 = tpu.memref_slice %arg10[%add3A_13, %dma_wait3A_139] : memref<10240x128xf32, #tpu.memory_space<vmem_shared>> -> memref<128x128xf32, #tpu.memory_space<vmem_shared>>
      tpu.wait_dma2 semaphore(%run_scoped3A : memref<!tpu.dma_semaphore, #tpu.memory_space<semaphore_mem>>) src(%arg8 : memref<128x128xf32, #tpu.memory_space<vmem>>) dst(%dma_wait3A_140 : memref<128x128xf32, #tpu.memory_space<vmem_shared>>)
      tpu.yield
    }) : () -> ()
    %mul3A_14 = arith.constant 640 : i32
    %mul3A_15 = arith.muli %arg1, %mul3A_14 : i32
    %add3A_16 = arith.constant 256 : i32
    %add3A_17 = arith.addi %mul3A_15, %add3A_16 : i32
    "tpu.region"() ({
      %run_scoped3A = tpu.sem_alloc : memref<!tpu.dma_semaphore, #tpu.memory_space<semaphore_mem>>
      %dma_start3A_133 = arith.constant 0 : i32
      %dma_start3A_134 = tpu.memref_slice %arg10[%add3A_17, %dma_start3A_133] : memref<10240x128xf32, #tpu.memory_space<vmem_shared>> -> memref<128x128xf32, #tpu.memory_space<vmem_shared>>
      %dma_start3A_135 = arith.constant 0 : i32
      %dma_start3A_136 = tpu.memref_slice %arg10[%add3A_17, %dma_start3A_135] : memref<10240x128xf32, #tpu.memory_space<vmem_shared>> -> memref<128x128xf32, #tpu.memory_space<vmem_shared>>
      tpu.enqueue_dma source(%arg8 : memref<128x128xf32, #tpu.memory_space<vmem>>) target(%dma_start3A_136 : memref<128x128xf32, #tpu.memory_space<vmem_shared>>) target_semaphore(%run_scoped3A : memref<!tpu.dma_semaphore, #tpu.memory_space<semaphore_mem>>)
      %dma_wait3A_137 = arith.constant 0 : i32
      %dma_wait3A_138 = tpu.memref_slice %arg10[%add3A_17, %dma_wait3A_137] : memref<10240x128xf32, #tpu.memory_space<vmem_shared>> -> memref<128x128xf32, #tpu.memory_space<vmem_shared>>
      %dma_wait3A_139 = arith.constant 0 : i32
      %dma_wait3A_140 = tpu.memref_slice %arg10[%add3A_17, %dma_wait3A_139] : memref<10240x128xf32, #tpu.memory_space<vmem_shared>> -> memref<128x128xf32, #tpu.memory_space<vmem_shared>>
      tpu.wait_dma2 semaphore(%run_scoped3A : memref<!tpu.dma_semaphore, #tpu.memory_space<semaphore_mem>>) src(%arg8 : memref<128x128xf32, #tpu.memory_space<vmem>>) dst(%dma_wait3A_140 : memref<128x128xf32, #tpu.memory_space<vmem_shared>>)
      tpu.yield
    }) : () -> ()
    %mul3A_18 = arith.constant 640 : i32
    %mul3A_19 = arith.muli %arg1, %mul3A_18 : i32
    %add3A_20 = arith.constant 384 : i32
    %add3A_21 = arith.addi %mul3A_19, %add3A_20 : i32
    "tpu.region"() ({
      %run_scoped3A = tpu.sem_alloc : memref<!tpu.dma_semaphore, #tpu.memory_space<semaphore_mem>>
      %dma_start3A_133 = arith.constant 0 : i32
      %dma_start3A_134 = tpu.memref_slice %arg10[%add3A_21, %dma_start3A_133] : memref<10240x128xf32, #tpu.memory_space<vmem_shared>> -> memref<128x128xf32, #tpu.memory_space<vmem_shared>>
      %dma_start3A_135 = arith.constant 0 : i32
      %dma_start3A_136 = tpu.memref_slice %arg10[%add3A_21, %dma_start3A_135] : memref<10240x128xf32, #tpu.memory_space<vmem_shared>> -> memref<128x128xf32, #tpu.memory_space<vmem_shared>>
      tpu.enqueue_dma source(%arg8 : memref<128x128xf32, #tpu.memory_space<vmem>>) target(%dma_start3A_136 : memref<128x128xf32, #tpu.memory_space<vmem_shared>>) target_semaphore(%run_scoped3A : memref<!tpu.dma_semaphore, #tpu.memory_space<semaphore_mem>>)
      %dma_wait3A_137 = arith.constant 0 : i32
      %dma_wait3A_138 = tpu.memref_slice %arg10[%add3A_21, %dma_wait3A_137] : memref<10240x128xf32, #tpu.memory_space<vmem_shared>> -> memref<128x128xf32, #tpu.memory_space<vmem_shared>>
      %dma_wait3A_139 = arith.constant 0 : i32
      %dma_wait3A_140 = tpu.memref_slice %arg10[%add3A_21, %dma_wait3A_139] : memref<10240x128xf32, #tpu.memory_space<vmem_shared>> -> memref<128x128xf32, #tpu.memory_space<vmem_shared>>
      tpu.wait_dma2 semaphore(%run_scoped3A : memref<!tpu.dma_semaphore, #tpu.memory_space<semaphore_mem>>) src(%arg8 : memref<128x128xf32, #tpu.memory_space<vmem>>) dst(%dma_wait3A_140 : memref<128x128xf32, #tpu.memory_space<vmem_shared>>)
      tpu.yield
    }) : () -> ()
    %mul3A_22 = arith.constant 640 : i32
    %mul3A_23 = arith.muli %arg1, %mul3A_22 : i32
    %add3A_24 = arith.constant 512 : i32
    %add3A_25 = arith.addi %mul3A_23, %add3A_24 : i32
    "tpu.region"() ({
      %run_scoped3A = tpu.sem_alloc : memref<!tpu.dma_semaphore, #tpu.memory_space<semaphore_mem>>
      %dma_start3A_133 = arith.constant 0 : i32
      %dma_start3A_134 = tpu.memref_slice %arg10[%add3A_25, %dma_start3A_133] : memref<10240x128xf32, #tpu.memory_space<vmem_shared>> -> memref<128x128xf32, #tpu.memory_space<vmem_shared>>
      %dma_start3A_135 = arith.constant 0 : i32
      %dma_start3A_136 = tpu.memref_slice %arg10[%add3A_25, %dma_start3A_135] : memref<10240x128xf32, #tpu.memory_space<vmem_shared>> -> memref<128x128xf32, #tpu.memory_space<vmem_shared>>
      tpu.enqueue_dma source(%arg8 : memref<128x128xf32, #tpu.memory_space<vmem>>) target(%dma_start3A_136 : memref<128x128xf32, #tpu.memory_space<vmem_shared>>) target_semaphore(%run_scoped3A : memref<!tpu.dma_semaphore, #tpu.memory_space<semaphore_mem>>)
      %dma_wait3A_137 = arith.constant 0 : i32
      %dma_wait3A_138 = tpu.memref_slice %arg10[%add3A_25, %dma_wait3A_137] : memref<10240x128xf32, #tpu.memory_space<vmem_shared>> -> memref<128x128xf32, #tpu.memory_space<vmem_shared>>
      %dma_wait3A_139 = arith.constant 0 : i32
      %dma_wait3A_140 = tpu.memref_slice %arg10[%add3A_25, %dma_wait3A_139] : memref<10240x128xf32, #tpu.memory_space<vmem_shared>> -> memref<128x128xf32, #tpu.memory_space<vmem_shared>>
      tpu.wait_dma2 semaphore(%run_scoped3A : memref<!tpu.dma_semaphore, #tpu.memory_space<semaphore_mem>>) src(%arg8 : memref<128x128xf32, #tpu.memory_space<vmem>>) dst(%dma_wait3A_140 : memref<128x128xf32, #tpu.memory_space<vmem_shared>>)
      tpu.yield
    }) : () -> ()
    %barrier3A = arith.constant 0 : index
    tpu.barrier barrier_id(%barrier3A)
    %lt3A = arith.constant 31 : i32
    %lt3A_26 = arith.cmpi slt, %add3A, %lt3A : i32
    %convert_element_type3A = arith.extui %lt3A_26 : i1 to i32
    %cond3A = arith.constant 0 : i32
    %cond3A_27 = arith.cmpi ne, %convert_element_type3A, %cond3A : i32
    scf.if %cond3A_27 {
      %mul3A_133 = arith.constant 10240 : i32
      %mul3A_134 = arith.muli %add3A, %mul3A_133 : i32
      %add3A_135 = arith.constant 0 : i32
      %add3A_136 = arith.addi %mul3A_134, %add3A_135 : i32
      %run_scoped3A = arith.constant 0 : i32
      "tpu.region"() ({
        %run_scoped3A_142 = tpu.sem_alloc : memref<!tpu.dma_semaphore, #tpu.memory_space<semaphore_mem>>
        %dma_start3A_143 = tpu.memref_slice %arg3[%run_scoped3A, %add3A_136] : memref<2x320000xi32, #tpu.memory_space<hbm>> -> memref<1x5120xi32, #tpu.memory_space<hbm>>
        %dma_start3A_144 = tpu.memref_squeeze %dma_start3A_143 : memref<1x5120xi32, #tpu.memory_space<hbm>> -> memref<5120xi32, #tpu.memory_space<hbm>>
        %dma_start3A_145 = tpu.memref_slice %arg3[%run_scoped3A, %add3A_136] : memref<2x320000xi32, #tpu.memory_space<hbm>> -> memref<1x5120xi32, #tpu.memory_space<hbm>>
        %dma_start3A_146 = tpu.memref_squeeze %dma_start3A_145 : memref<1x5120xi32, #tpu.memory_space<hbm>> -> memref<5120xi32, #tpu.memory_space<hbm>>
        tpu.enqueue_dma source(%dma_start3A_146 : memref<5120xi32, #tpu.memory_space<hbm>>) target(%arg6 : memref<5120xi32, #tpu.memory_space<vmem>>) target_semaphore(%run_scoped3A_142 : memref<!tpu.dma_semaphore, #tpu.memory_space<semaphore_mem>>)
        %dma_wait3A_147 = tpu.memref_slice %arg3[%run_scoped3A, %add3A_136] : memref<2x320000xi32, #tpu.memory_space<hbm>> -> memref<1x5120xi32, #tpu.memory_space<hbm>>
        %dma_wait3A_148 = tpu.memref_squeeze %dma_wait3A_147 : memref<1x5120xi32, #tpu.memory_space<hbm>> -> memref<5120xi32, #tpu.memory_space<hbm>>
        %dma_wait3A_149 = tpu.memref_slice %arg3[%run_scoped3A, %add3A_136] : memref<2x320000xi32, #tpu.memory_space<hbm>> -> memref<1x5120xi32, #tpu.memory_space<hbm>>
        %dma_wait3A_150 = tpu.memref_squeeze %dma_wait3A_149 : memref<1x5120xi32, #tpu.memory_space<hbm>> -> memref<5120xi32, #tpu.memory_space<hbm>>
        tpu.wait_dma2 semaphore(%run_scoped3A_142 : memref<!tpu.dma_semaphore, #tpu.memory_space<semaphore_mem>>) src(%dma_wait3A_150 : memref<5120xi32, #tpu.memory_space<hbm>>) dst(%arg6 : memref<5120xi32, #tpu.memory_space<vmem>>)
        tpu.yield
      }) : () -> ()
      %mul3A_137 = arith.constant 10240 : i32
      %mul3A_138 = arith.muli %add3A, %mul3A_137 : i32
      %add3A_139 = arith.constant 0 : i32
      %add3A_140 = arith.addi %mul3A_138, %add3A_139 : i32
      %run_scoped3A_141 = arith.constant 1 : i32
      "tpu.region"() ({
        %run_scoped3A_142 = tpu.sem_alloc : memref<!tpu.dma_semaphore, #tpu.memory_space<semaphore_mem>>
        %dma_start3A_143 = tpu.memref_slice %arg3[%run_scoped3A_141, %add3A_140] : memref<2x320000xi32, #tpu.memory_space<hbm>> -> memref<1x5120xi32, #tpu.memory_space<hbm>>
        %dma_start3A_144 = tpu.memref_squeeze %dma_start3A_143 : memref<1x5120xi32, #tpu.memory_space<hbm>> -> memref<5120xi32, #tpu.memory_space<hbm>>
        %dma_start3A_145 = tpu.memref_slice %arg3[%run_scoped3A_141, %add3A_140] : memref<2x320000xi32, #tpu.memory_space<hbm>> -> memref<1x5120xi32, #tpu.memory_space<hbm>>
        %dma_start3A_146 = tpu.memref_squeeze %dma_start3A_145 : memref<1x5120xi32, #tpu.memory_space<hbm>> -> memref<5120xi32, #tpu.memory_space<hbm>>
        tpu.enqueue_dma source(%dma_start3A_146 : memref<5120xi32, #tpu.memory_space<hbm>>) target(%arg7 : memref<5120xi32, #tpu.memory_space<vmem>>) target_semaphore(%run_scoped3A_142 : memref<!tpu.dma_semaphore, #tpu.memory_space<semaphore_mem>>)
        %dma_wait3A_147 = tpu.memref_slice %arg3[%run_scoped3A_141, %add3A_140] : memref<2x320000xi32, #tpu.memory_space<hbm>> -> memref<1x5120xi32, #tpu.memory_space<hbm>>
        %dma_wait3A_148 = tpu.memref_squeeze %dma_wait3A_147 : memref<1x5120xi32, #tpu.memory_space<hbm>> -> memref<5120xi32, #tpu.memory_space<hbm>>
        %dma_wait3A_149 = tpu.memref_slice %arg3[%run_scoped3A_141, %add3A_140] : memref<2x320000xi32, #tpu.memory_space<hbm>> -> memref<1x5120xi32, #tpu.memory_space<hbm>>
        %dma_wait3A_150 = tpu.memref_squeeze %dma_wait3A_149 : memref<1x5120xi32, #tpu.memory_space<hbm>> -> memref<5120xi32, #tpu.memory_space<hbm>>
        tpu.wait_dma2 semaphore(%run_scoped3A_142 : memref<!tpu.dma_semaphore, #tpu.memory_space<semaphore_mem>>) src(%dma_wait3A_150 : memref<5120xi32, #tpu.memory_space<hbm>>) dst(%arg7 : memref<5120xi32, #tpu.memory_space<vmem>>)
        tpu.yield
      }) : () -> ()
    } else {
    }
    %eq3A = arith.constant 31 : i32
    %eq3A_28 = arith.cmpi eq, %add3A, %eq3A : i32
    %convert_element_type3A_29 = arith.extui %eq3A_28 : i1 to i32
    %cond3A_30 = arith.constant 0 : i32
    %cond3A_31 = arith.cmpi ne, %convert_element_type3A_29, %cond3A_30 : i32
    scf.if %cond3A_31 {
      %run_scoped3A = arith.constant 0 : i32
      "tpu.region"() ({
        %run_scoped3A_134 = tpu.sem_alloc : memref<!tpu.dma_semaphore, #tpu.memory_space<semaphore_mem>>
        %dma_start3A_135 = arith.constant 0 : i32
        %dma_start3A_136 = tpu.memref_slice %arg4[%run_scoped3A, %dma_start3A_135] : memref<2x10240xi32, #tpu.memory_space<hbm>> -> memref<1x5120xi32, #tpu.memory_space<hbm>>
        %dma_start3A_137 = tpu.memref_squeeze %dma_start3A_136 : memref<1x5120xi32, #tpu.memory_space<hbm>> -> memref<5120xi32, #tpu.memory_space<hbm>>
        %dma_start3A_138 = arith.constant 0 : i32
        %dma_start3A_139 = tpu.memref_slice %arg4[%run_scoped3A, %dma_start3A_138] : memref<2x10240xi32, #tpu.memory_space<hbm>> -> memref<1x5120xi32, #tpu.memory_space<hbm>>
        %dma_start3A_140 = tpu.memref_squeeze %dma_start3A_139 : memref<1x5120xi32, #tpu.memory_space<hbm>> -> memref<5120xi32, #tpu.memory_space<hbm>>
        tpu.enqueue_dma source(%dma_start3A_140 : memref<5120xi32, #tpu.memory_space<hbm>>) target(%arg6 : memref<5120xi32, #tpu.memory_space<vmem>>) target_semaphore(%run_scoped3A_134 : memref<!tpu.dma_semaphore, #tpu.memory_space<semaphore_mem>>)
        %dma_wait3A_141 = arith.constant 0 : i32
        %dma_wait3A_142 = tpu.memref_slice %arg4[%run_scoped3A, %dma_wait3A_141] : memref<2x10240xi32, #tpu.memory_space<hbm>> -> memref<1x5120xi32, #tpu.memory_space<hbm>>
        %dma_wait3A_143 = tpu.memref_squeeze %dma_wait3A_142 : memref<1x5120xi32, #tpu.memory_space<hbm>> -> memref<5120xi32, #tpu.memory_space<hbm>>
        %dma_wait3A_144 = arith.constant 0 : i32
        %dma_wait3A_145 = tpu.memref_slice %arg4[%run_scoped3A, %dma_wait3A_144] : memref<2x10240xi32, #tpu.memory_space<hbm>> -> memref<1x5120xi32, #tpu.memory_space<hbm>>
        %dma_wait3A_146 = tpu.memref_squeeze %dma_wait3A_145 : memref<1x5120xi32, #tpu.memory_space<hbm>> -> memref<5120xi32, #tpu.memory_space<hbm>>
        tpu.wait_dma2 semaphore(%run_scoped3A_134 : memref<!tpu.dma_semaphore, #tpu.memory_space<semaphore_mem>>) src(%dma_wait3A_146 : memref<5120xi32, #tpu.memory_space<hbm>>) dst(%arg6 : memref<5120xi32, #tpu.memory_space<vmem>>)
        tpu.yield
      }) : () -> ()
      %run_scoped3A_133 = arith.constant 1 : i32
      "tpu.region"() ({
        %run_scoped3A_134 = tpu.sem_alloc : memref<!tpu.dma_semaphore, #tpu.memory_space<semaphore_mem>>
        %dma_start3A_135 = arith.constant 0 : i32
        %dma_start3A_136 = tpu.memref_slice %arg4[%run_scoped3A_133, %dma_start3A_135] : memref<2x10240xi32, #tpu.memory_space<hbm>> -> memref<1x5120xi32, #tpu.memory_space<hbm>>
        %dma_start3A_137 = tpu.memref_squeeze %dma_start3A_136 : memref<1x5120xi32, #tpu.memory_space<hbm>> -> memref<5120xi32, #tpu.memory_space<hbm>>
        %dma_start3A_138 = arith.constant 0 : i32
        %dma_start3A_139 = tpu.memref_slice %arg4[%run_scoped3A_133, %dma_start3A_138] : memref<2x10240xi32, #tpu.memory_space<hbm>> -> memref<1x5120xi32, #tpu.memory_space<hbm>>
        %dma_start3A_140 = tpu.memref_squeeze %dma_start3A_139 : memref<1x5120xi32, #tpu.memory_space<hbm>> -> memref<5120xi32, #tpu.memory_space<hbm>>
        tpu.enqueue_dma source(%dma_start3A_140 : memref<5120xi32, #tpu.memory_space<hbm>>) target(%arg7 : memref<5120xi32, #tpu.memory_space<vmem>>) target_semaphore(%run_scoped3A_134 : memref<!tpu.dma_semaphore, #tpu.memory_space<semaphore_mem>>)
        %dma_wait3A_141 = arith.constant 0 : i32
        %dma_wait3A_142 = tpu.memref_slice %arg4[%run_scoped3A_133, %dma_wait3A_141] : memref<2x10240xi32, #tpu.memory_space<hbm>> -> memref<1x5120xi32, #tpu.memory_space<hbm>>
        %dma_wait3A_143 = tpu.memref_squeeze %dma_wait3A_142 : memref<1x5120xi32, #tpu.memory_space<hbm>> -> memref<5120xi32, #tpu.memory_space<hbm>>
        %dma_wait3A_144 = arith.constant 0 : i32
        %dma_wait3A_145 = tpu.memref_slice %arg4[%run_scoped3A_133, %dma_wait3A_144] : memref<2x10240xi32, #tpu.memory_space<hbm>> -> memref<1x5120xi32, #tpu.memory_space<hbm>>
        %dma_wait3A_146 = tpu.memref_squeeze %dma_wait3A_145 : memref<1x5120xi32, #tpu.memory_space<hbm>> -> memref<5120xi32, #tpu.memory_space<hbm>>
        tpu.wait_dma2 semaphore(%run_scoped3A_134 : memref<!tpu.dma_semaphore, #tpu.memory_space<semaphore_mem>>) src(%dma_wait3A_146 : memref<5120xi32, #tpu.memory_space<hbm>>) dst(%arg7 : memref<5120xi32, #tpu.memory_space<vmem>>)
        tpu.yield
      }) : () -> ()
    } else {
    }
    %dma_start3A = arith.constant 0 : i32
    %dma_start3A_32 = tpu.memref_slice %arg6[%dma_start3A] : memref<5120xi32, #tpu.memory_space<vmem>> -> memref<128xi32, #tpu.memory_space<vmem>>
    %dma_start3A_33 = arith.constant 0 : i32
    %dma_start3A_34 = arith.constant 0 : i32
    %dma_start3A_35 = tpu.memref_slice %arg2[%dma_start3A_33, %dma_start3A_34] : memref<10240x128xf32, #tpu.memory_space<hbm>> -> memref<10240x128xf32, #tpu.memory_space<hbm>>
    tpu.enqueue_indirect_dma source(%dma_start3A_35 : memref<10240x128xf32, #tpu.memory_space<hbm>>) target(%arg8 : memref<128x128xf32, #tpu.memory_space<vmem>>) offsets(%dma_start3A_32 : memref<128xi32, #tpu.memory_space<vmem>>) semaphore(%arg11 : memref<!tpu.dma_semaphore, #tpu.memory_space<semaphore_mem>>)
    %dma_start3A_36 = arith.constant 128 : i32
    %dma_start3A_37 = tpu.memref_slice %arg6[%dma_start3A_36] : memref<5120xi32, #tpu.memory_space<vmem>> -> memref<128xi32, #tpu.memory_space<vmem>>
    %dma_start3A_38 = arith.constant 0 : i32
    %dma_start3A_39 = arith.constant 0 : i32
    %dma_start3A_40 = tpu.memref_slice %arg2[%dma_start3A_38, %dma_start3A_39] : memref<10240x128xf32, #tpu.memory_space<hbm>> -> memref<10240x128xf32, #tpu.memory_space<hbm>>
    tpu.enqueue_indirect_dma source(%dma_start3A_40 : memref<10240x128xf32, #tpu.memory_space<hbm>>) target(%arg9 : memref<128x128xf32, #tpu.memory_space<vmem>>) offsets(%dma_start3A_37 : memref<128xi32, #tpu.memory_space<vmem>>) semaphore(%arg12 : memref<!tpu.dma_semaphore, #tpu.memory_space<semaphore_mem>>)
    %scan3A_41 = arith.constant 0 : i32
    %scan3A_42 = arith.constant 0 : i32
    %scan3A_43 = arith.constant 20 : i32
    %scan3A_44 = arith.addi %scan3A_42, %scan3A_43 : i32
    %scan3A_45 = arith.constant 1 : i32
    scf.for %scan3A_133 = %scan3A_42 to %scan3A_44 step %scan3A_45  : i32 {
      %mul3A_134 = arith.constant 2 : i32
      %mul3A_135 = arith.muli %scan3A_133, %mul3A_134 : i32
      %add3A_136 = arith.constant 0 : i32
      %add3A_137 = arith.addi %mul3A_135, %add3A_136 : i32
      %mul3A_138 = arith.constant 128 : i32
      %mul3A_139 = arith.muli %add3A_137, %mul3A_138 : i32
      %dma_wait3A_140 = tpu.memref_slice %arg6[%mul3A_139] : memref<5120xi32, #tpu.memory_space<vmem>> -> memref<128xi32, #tpu.memory_space<vmem>>
      %dma_wait3A_141 = arith.constant 0 : i32
      %dma_wait3A_142 = arith.constant 0 : i32
      %dma_wait3A_143 = tpu.memref_slice %arg2[%dma_wait3A_141, %dma_wait3A_142] : memref<10240x128xf32, #tpu.memory_space<hbm>> -> memref<10240x128xf32, #tpu.memory_space<hbm>>
      tpu.wait_indirect_dma semaphore(%arg11 : memref<!tpu.dma_semaphore, #tpu.memory_space<semaphore_mem>>) src(%dma_wait3A_143 : memref<10240x128xf32, #tpu.memory_space<hbm>>) dst(%arg8 : memref<128x128xf32, #tpu.memory_space<vmem>>)
      %add3A_144 = arith.constant 0 : i32
      %add3A_145 = arith.addi %mul3A_135, %add3A_144 : i32
      %mul3A_146 = arith.constant 128 : i32
      %mul3A_147 = arith.muli %add3A_145, %mul3A_146 : i32
      "tpu.region"() ({
        %run_scoped3A = tpu.sem_alloc : memref<!tpu.dma_semaphore, #tpu.memory_space<semaphore_mem>>
        %dma_start3A_183 = tpu.memref_slice %arg7[%mul3A_147] : memref<5120xi32, #tpu.memory_space<vmem>> -> memref<128xi32, #tpu.memory_space<vmem>>
        %dma_start3A_184 = arith.constant 0 : i32
        %dma_start3A_185 = arith.constant 0 : i32
        %dma_start3A_186 = tpu.memref_slice %arg10[%dma_start3A_184, %dma_start3A_185] : memref<10240x128xf32, #tpu.memory_space<vmem_shared>> -> memref<10240x128xf32, #tpu.memory_space<vmem_shared>>
        tpu.enqueue_indirect_dma source(%arg8 : memref<128x128xf32, #tpu.memory_space<vmem>>) target(%dma_start3A_186 : memref<10240x128xf32, #tpu.memory_space<vmem_shared>>) offsets(%dma_start3A_183 : memref<128xi32, #tpu.memory_space<vmem>>) semaphore(%run_scoped3A : memref<!tpu.dma_semaphore, #tpu.memory_space<semaphore_mem>>) {add = true}
        %dma_wait3A_187 = tpu.memref_slice %arg7[%mul3A_147] : memref<5120xi32, #tpu.memory_space<vmem>> -> memref<128xi32, #tpu.memory_space<vmem>>
        %dma_wait3A_188 = arith.constant 0 : i32
        %dma_wait3A_189 = arith.constant 0 : i32
        %dma_wait3A_190 = tpu.memref_slice %arg10[%dma_wait3A_188, %dma_wait3A_189] : memref<10240x128xf32, #tpu.memory_space<vmem_shared>> -> memref<10240x128xf32, #tpu.memory_space<vmem_shared>>
        tpu.wait_indirect_dma semaphore(%run_scoped3A : memref<!tpu.dma_semaphore, #tpu.memory_space<semaphore_mem>>) src(%arg8 : memref<128x128xf32, #tpu.memory_space<vmem>>) dst(%dma_wait3A_190 : memref<10240x128xf32, #tpu.memory_space<vmem_shared>>)
        tpu.yield
      }) : () -> ()
      %add3A_148 = arith.constant 0 : i32
      %add3A_149 = arith.addi %mul3A_135, %add3A_148 : i32
      %add3A_150 = arith.constant 2 : i32
      %add3A_151 = arith.addi %add3A_149, %add3A_150 : i32
      %mul3A_152 = arith.constant 128 : i32
      %mul3A_153 = arith.muli %add3A_151, %mul3A_152 : i32
      %min3A = arith.constant 4992 : i32
      %min3A_154 = arith.minsi %mul3A_153, %min3A : i32
      %dma_start3A_155 = tpu.memref_slice %arg6[%min3A_154] : memref<5120xi32, #tpu.memory_space<vmem>> -> memref<128xi32, #tpu.memory_space<vmem>>
      %dma_start3A_156 = arith.constant 0 : i32
      %dma_start3A_157 = arith.constant 0 : i32
      %dma_start3A_158 = tpu.memref_slice %arg2[%dma_start3A_156, %dma_start3A_157] : memref<10240x128xf32, #tpu.memory_space<hbm>> -> memref<10240x128xf32, #tpu.memory_space<hbm>>
      tpu.enqueue_indirect_dma source(%dma_start3A_158 : memref<10240x128xf32, #tpu.memory_space<hbm>>) target(%arg8 : memref<128x128xf32, #tpu.memory_space<vmem>>) offsets(%dma_start3A_155 : memref<128xi32, #tpu.memory_space<vmem>>) semaphore(%arg11 : memref<!tpu.dma_semaphore, #tpu.memory_space<semaphore_mem>>)
      %add3A_159 = arith.constant 1 : i32
      %add3A_160 = arith.addi %mul3A_135, %add3A_159 : i32
      %mul3A_161 = arith.constant 128 : i32
      %mul3A_162 = arith.muli %add3A_160, %mul3A_161 : i32
      %dma_wait3A_163 = tpu.memref_slice %arg6[%mul3A_162] : memref<5120xi32, #tpu.memory_space<vmem>> -> memref<128xi32, #tpu.memory_space<vmem>>
      %dma_wait3A_164 = arith.constant 0 : i32
      %dma_wait3A_165 = arith.constant 0 : i32
      %dma_wait3A_166 = tpu.memref_slice %arg2[%dma_wait3A_164, %dma_wait3A_165] : memref<10240x128xf32, #tpu.memory_space<hbm>> -> memref<10240x128xf32, #tpu.memory_space<hbm>>
      tpu.wait_indirect_dma semaphore(%arg12 : memref<!tpu.dma_semaphore, #tpu.memory_space<semaphore_mem>>) src(%dma_wait3A_166 : memref<10240x128xf32, #tpu.memory_space<hbm>>) dst(%arg9 : memref<128x128xf32, #tpu.memory_space<vmem>>)
      %add3A_167 = arith.constant 1 : i32
      %add3A_168 = arith.addi %mul3A_135, %add3A_167 : i32
      %mul3A_169 = arith.constant 128 : i32
      %mul3A_170 = arith.muli %add3A_168, %mul3A_169 : i32
      "tpu.region"() ({
        %run_scoped3A = tpu.sem_alloc : memref<!tpu.dma_semaphore, #tpu.memory_space<semaphore_mem>>
        %dma_start3A_183 = tpu.memref_slice %arg7[%mul3A_170] : memref<5120xi32, #tpu.memory_space<vmem>> -> memref<128xi32, #tpu.memory_space<vmem>>
        %dma_start3A_184 = arith.constant 0 : i32
        %dma_start3A_185 = arith.constant 0 : i32
        %dma_start3A_186 = tpu.memref_slice %arg10[%dma_start3A_184, %dma_start3A_185] : memref<10240x128xf32, #tpu.memory_space<vmem_shared>> -> memref<10240x128xf32, #tpu.memory_space<vmem_shared>>
        tpu.enqueue_indirect_dma source(%arg9 : memref<128x128xf32, #tpu.memory_space<vmem>>) target(%dma_start3A_186 : memref<10240x128xf32, #tpu.memory_space<vmem_shared>>) offsets(%dma_start3A_183 : memref<128xi32, #tpu.memory_space<vmem>>) semaphore(%run_scoped3A : memref<!tpu.dma_semaphore, #tpu.memory_space<semaphore_mem>>) {add = true}
        %dma_wait3A_187 = tpu.memref_slice %arg7[%mul3A_170] : memref<5120xi32, #tpu.memory_space<vmem>> -> memref<128xi32, #tpu.memory_space<vmem>>
        %dma_wait3A_188 = arith.constant 0 : i32
        %dma_wait3A_189 = arith.constant 0 : i32
        %dma_wait3A_190 = tpu.memref_slice %arg10[%dma_wait3A_188, %dma_wait3A_189] : memref<10240x128xf32, #tpu.memory_space<vmem_shared>> -> memref<10240x128xf32, #tpu.memory_space<vmem_shared>>
        tpu.wait_indirect_dma semaphore(%run_scoped3A : memref<!tpu.dma_semaphore, #tpu.memory_space<semaphore_mem>>) src(%arg9 : memref<128x128xf32, #tpu.memory_space<vmem>>) dst(%dma_wait3A_190 : memref<10240x128xf32, #tpu.memory_space<vmem_shared>>)
        tpu.yield
      }) : () -> ()
      %add3A_171 = arith.constant 1 : i32
      %add3A_172 = arith.addi %mul3A_135, %add3A_171 : i32
      %add3A_173 = arith.constant 2 : i32
      %add3A_174 = arith.addi %add3A_172, %add3A_173 : i32
      %mul3A_175 = arith.constant 128 : i32
      %mul3A_176 = arith.muli %add3A_174, %mul3A_175 : i32
      %min3A_177 = arith.constant 4992 : i32
      %min3A_178 = arith.minsi %mul3A_176, %min3A_177 : i32
      %dma_start3A_179 = tpu.memref_slice %arg6[%min3A_178] : memref<5120xi32, #tpu.memory_space<vmem>> -> memref<128xi32, #tpu.memory_space<vmem>>
      %dma_start3A_180 = arith.constant 0 : i32
      %dma_start3A_181 = arith.constant 0 : i32
      %dma_start3A_182 = tpu.memref_slice %arg2[%dma_start3A_180, %dma_start3A_181] : memref<10240x128xf32, #tpu.memory_space<hbm>> -> memref<10240x128xf32, #tpu.memory_space<hbm>>
      tpu.enqueue_indirect_dma source(%dma_start3A_182 : memref<10240x128xf32, #tpu.memory_space<hbm>>) target(%arg9 : memref<128x128xf32, #tpu.memory_space<vmem>>) offsets(%dma_start3A_179 : memref<128xi32, #tpu.memory_space<vmem>>) semaphore(%arg12 : memref<!tpu.dma_semaphore, #tpu.memory_space<semaphore_mem>>)
    }
    %scan3A_46 = arith.constant 20 : i32
    %dma_wait3A = arith.constant 0 : i32
    %dma_wait3A_47 = tpu.memref_slice %arg6[%dma_wait3A] : memref<5120xi32, #tpu.memory_space<vmem>> -> memref<128xi32, #tpu.memory_space<vmem>>
    %dma_wait3A_48 = arith.constant 0 : i32
    %dma_wait3A_49 = arith.constant 0 : i32
    %dma_wait3A_50 = tpu.memref_slice %arg2[%dma_wait3A_48, %dma_wait3A_49] : memref<10240x128xf32, #tpu.memory_space<hbm>> -> memref<10240x128xf32, #tpu.memory_space<hbm>>
    tpu.wait_indirect_dma semaphore(%arg11 : memref<!tpu.dma_semaphore, #tpu.memory_space<semaphore_mem>>) src(%dma_wait3A_50 : memref<10240x128xf32, #tpu.memory_space<hbm>>) dst(%arg8 : memref<128x128xf32, #tpu.memory_space<vmem>>)
    %dma_wait3A_51 = arith.constant 0 : i32
    %dma_wait3A_52 = tpu.memref_slice %arg6[%dma_wait3A_51] : memref<5120xi32, #tpu.memory_space<vmem>> -> memref<128xi32, #tpu.memory_space<vmem>>
    %dma_wait3A_53 = arith.constant 0 : i32
    %dma_wait3A_54 = arith.constant 0 : i32
    %dma_wait3A_55 = tpu.memref_slice %arg2[%dma_wait3A_53, %dma_wait3A_54] : memref<10240x128xf32, #tpu.memory_space<hbm>> -> memref<10240x128xf32, #tpu.memory_space<hbm>>
    tpu.wait_indirect_dma semaphore(%arg12 : memref<!tpu.dma_semaphore, #tpu.memory_space<semaphore_mem>>) src(%dma_wait3A_55 : memref<10240x128xf32, #tpu.memory_space<hbm>>) dst(%arg9 : memref<128x128xf32, #tpu.memory_space<vmem>>)
    %lt3A_56 = arith.constant 31 : i32
    %lt3A_57 = arith.cmpi slt, %add3A, %lt3A_56 : i32
    %convert_element_type3A_58 = arith.extui %lt3A_57 : i1 to i32
    %cond3A_59 = arith.constant 0 : i32
    %cond3A_60 = arith.cmpi ne, %convert_element_type3A_58, %cond3A_59 : i32
    scf.if %cond3A_60 {
      %mul3A_133 = arith.constant 10240 : i32
      %mul3A_134 = arith.muli %add3A, %mul3A_133 : i32
      %add3A_135 = arith.constant 5120 : i32
      %add3A_136 = arith.addi %mul3A_134, %add3A_135 : i32
      %run_scoped3A = arith.constant 0 : i32
      "tpu.region"() ({
        %run_scoped3A_142 = tpu.sem_alloc : memref<!tpu.dma_semaphore, #tpu.memory_space<semaphore_mem>>
        %dma_start3A_143 = tpu.memref_slice %arg3[%run_scoped3A, %add3A_136] : memref<2x320000xi32, #tpu.memory_space<hbm>> -> memref<1x5120xi32, #tpu.memory_space<hbm>>
        %dma_start3A_144 = tpu.memref_squeeze %dma_start3A_143 : memref<1x5120xi32, #tpu.memory_space<hbm>> -> memref<5120xi32, #tpu.memory_space<hbm>>
        %dma_start3A_145 = tpu.memref_slice %arg3[%run_scoped3A, %add3A_136] : memref<2x320000xi32, #tpu.memory_space<hbm>> -> memref<1x5120xi32, #tpu.memory_space<hbm>>
        %dma_start3A_146 = tpu.memref_squeeze %dma_start3A_145 : memref<1x5120xi32, #tpu.memory_space<hbm>> -> memref<5120xi32, #tpu.memory_space<hbm>>
        tpu.enqueue_dma source(%dma_start3A_146 : memref<5120xi32, #tpu.memory_space<hbm>>) target(%arg6 : memref<5120xi32, #tpu.memory_space<vmem>>) target_semaphore(%run_scoped3A_142 : memref<!tpu.dma_semaphore, #tpu.memory_space<semaphore_mem>>)
        %dma_wait3A_147 = tpu.memref_slice %arg3[%run_scoped3A, %add3A_136] : memref<2x320000xi32, #tpu.memory_space<hbm>> -> memref<1x5120xi32, #tpu.memory_space<hbm>>
        %dma_wait3A_148 = tpu.memref_squeeze %dma_wait3A_147 : memref<1x5120xi32, #tpu.memory_space<hbm>> -> memref<5120xi32, #tpu.memory_space<hbm>>
        %dma_wait3A_149 = tpu.memref_slice %arg3[%run_scoped3A, %add3A_136] : memref<2x320000xi32, #tpu.memory_space<hbm>> -> memref<1x5120xi32, #tpu.memory_space<hbm>>
        %dma_wait3A_150 = tpu.memref_squeeze %dma_wait3A_149 : memref<1x5120xi32, #tpu.memory_space<hbm>> -> memref<5120xi32, #tpu.memory_space<hbm>>
        tpu.wait_dma2 semaphore(%run_scoped3A_142 : memref<!tpu.dma_semaphore, #tpu.memory_space<semaphore_mem>>) src(%dma_wait3A_150 : memref<5120xi32, #tpu.memory_space<hbm>>) dst(%arg6 : memref<5120xi32, #tpu.memory_space<vmem>>)
        tpu.yield
      }) : () -> ()
      %mul3A_137 = arith.constant 10240 : i32
      %mul3A_138 = arith.muli %add3A, %mul3A_137 : i32
      %add3A_139 = arith.constant 5120 : i32
      %add3A_140 = arith.addi %mul3A_138, %add3A_139 : i32
      %run_scoped3A_141 = arith.constant 1 : i32
      "tpu.region"() ({
        %run_scoped3A_142 = tpu.sem_alloc : memref<!tpu.dma_semaphore, #tpu.memory_space<semaphore_mem>>
        %dma_start3A_143 = tpu.memref_slice %arg3[%run_scoped3A_141, %add3A_140] : memref<2x320000xi32, #tpu.memory_space<hbm>> -> memref<1x5120xi32, #tpu.memory_space<hbm>>
        %dma_start3A_144 = tpu.memref_squeeze %dma_start3A_143 : memref<1x5120xi32, #tpu.memory_space<hbm>> -> memref<5120xi32, #tpu.memory_space<hbm>>
        %dma_start3A_145 = tpu.memref_slice %arg3[%run_scoped3A_141, %add3A_140] : memref<2x320000xi32, #tpu.memory_space<hbm>> -> memref<1x5120xi32, #tpu.memory_space<hbm>>
        %dma_start3A_146 = tpu.memref_squeeze %dma_start3A_145 : memref<1x5120xi32, #tpu.memory_space<hbm>> -> memref<5120xi32, #tpu.memory_space<hbm>>
        tpu.enqueue_dma source(%dma_start3A_146 : memref<5120xi32, #tpu.memory_space<hbm>>) target(%arg7 : memref<5120xi32, #tpu.memory_space<vmem>>) target_semaphore(%run_scoped3A_142 : memref<!tpu.dma_semaphore, #tpu.memory_space<semaphore_mem>>)
        %dma_wait3A_147 = tpu.memref_slice %arg3[%run_scoped3A_141, %add3A_140] : memref<2x320000xi32, #tpu.memory_space<hbm>> -> memref<1x5120xi32, #tpu.memory_space<hbm>>
        %dma_wait3A_148 = tpu.memref_squeeze %dma_wait3A_147 : memref<1x5120xi32, #tpu.memory_space<hbm>> -> memref<5120xi32, #tpu.memory_space<hbm>>
        %dma_wait3A_149 = tpu.memref_slice %arg3[%run_scoped3A_141, %add3A_140] : memref<2x320000xi32, #tpu.memory_space<hbm>> -> memref<1x5120xi32, #tpu.memory_space<hbm>>
        %dma_wait3A_150 = tpu.memref_squeeze %dma_wait3A_149 : memref<1x5120xi32, #tpu.memory_space<hbm>> -> memref<5120xi32, #tpu.memory_space<hbm>>
        tpu.wait_dma2 semaphore(%run_scoped3A_142 : memref<!tpu.dma_semaphore, #tpu.memory_space<semaphore_mem>>) src(%dma_wait3A_150 : memref<5120xi32, #tpu.memory_space<hbm>>) dst(%arg7 : memref<5120xi32, #tpu.memory_space<vmem>>)
        tpu.yield
      }) : () -> ()
    } else {
    }
    %eq3A_61 = arith.constant 31 : i32
    %eq3A_62 = arith.cmpi eq, %add3A, %eq3A_61 : i32
    %convert_element_type3A_63 = arith.extui %eq3A_62 : i1 to i32
    %cond3A_64 = arith.constant 0 : i32
    %cond3A_65 = arith.cmpi ne, %convert_element_type3A_63, %cond3A_64 : i32
    scf.if %cond3A_65 {
      %run_scoped3A = arith.constant 0 : i32
      "tpu.region"() ({
        %run_scoped3A_134 = tpu.sem_alloc : memref<!tpu.dma_semaphore, #tpu.memory_space<semaphore_mem>>
        %dma_start3A_135 = arith.constant 5120 : i32
        %dma_start3A_136 = tpu.memref_slice %arg4[%run_scoped3A, %dma_start3A_135] : memref<2x10240xi32, #tpu.memory_space<hbm>> -> memref<1x5120xi32, #tpu.memory_space<hbm>>
        %dma_start3A_137 = tpu.memref_squeeze %dma_start3A_136 : memref<1x5120xi32, #tpu.memory_space<hbm>> -> memref<5120xi32, #tpu.memory_space<hbm>>
        %dma_start3A_138 = arith.constant 5120 : i32
        %dma_start3A_139 = tpu.memref_slice %arg4[%run_scoped3A, %dma_start3A_138] : memref<2x10240xi32, #tpu.memory_space<hbm>> -> memref<1x5120xi32, #tpu.memory_space<hbm>>
        %dma_start3A_140 = tpu.memref_squeeze %dma_start3A_139 : memref<1x5120xi32, #tpu.memory_space<hbm>> -> memref<5120xi32, #tpu.memory_space<hbm>>
        tpu.enqueue_dma source(%dma_start3A_140 : memref<5120xi32, #tpu.memory_space<hbm>>) target(%arg6 : memref<5120xi32, #tpu.memory_space<vmem>>) target_semaphore(%run_scoped3A_134 : memref<!tpu.dma_semaphore, #tpu.memory_space<semaphore_mem>>)
        %dma_wait3A_141 = arith.constant 5120 : i32
        %dma_wait3A_142 = tpu.memref_slice %arg4[%run_scoped3A, %dma_wait3A_141] : memref<2x10240xi32, #tpu.memory_space<hbm>> -> memref<1x5120xi32, #tpu.memory_space<hbm>>
        %dma_wait3A_143 = tpu.memref_squeeze %dma_wait3A_142 : memref<1x5120xi32, #tpu.memory_space<hbm>> -> memref<5120xi32, #tpu.memory_space<hbm>>
        %dma_wait3A_144 = arith.constant 5120 : i32
        %dma_wait3A_145 = tpu.memref_slice %arg4[%run_scoped3A, %dma_wait3A_144] : memref<2x10240xi32, #tpu.memory_space<hbm>> -> memref<1x5120xi32, #tpu.memory_space<hbm>>
        %dma_wait3A_146 = tpu.memref_squeeze %dma_wait3A_145 : memref<1x5120xi32, #tpu.memory_space<hbm>> -> memref<5120xi32, #tpu.memory_space<hbm>>
        tpu.wait_dma2 semaphore(%run_scoped3A_134 : memref<!tpu.dma_semaphore, #tpu.memory_space<semaphore_mem>>) src(%dma_wait3A_146 : memref<5120xi32, #tpu.memory_space<hbm>>) dst(%arg6 : memref<5120xi32, #tpu.memory_space<vmem>>)
        tpu.yield
      }) : () -> ()
      %run_scoped3A_133 = arith.constant 1 : i32
      "tpu.region"() ({
        %run_scoped3A_134 = tpu.sem_alloc : memref<!tpu.dma_semaphore, #tpu.memory_space<semaphore_mem>>
        %dma_start3A_135 = arith.constant 5120 : i32
        %dma_start3A_136 = tpu.memref_slice %arg4[%run_scoped3A_133, %dma_start3A_135] : memref<2x10240xi32, #tpu.memory_space<hbm>> -> memref<1x5120xi32, #tpu.memory_space<hbm>>
        %dma_start3A_137 = tpu.memref_squeeze %dma_start3A_136 : memref<1x5120xi32, #tpu.memory_space<hbm>> -> memref<5120xi32, #tpu.memory_space<hbm>>
        %dma_start3A_138 = arith.constant 5120 : i32
        %dma_start3A_139 = tpu.memref_slice %arg4[%run_scoped3A_133, %dma_start3A_138] : memref<2x10240xi32, #tpu.memory_space<hbm>> -> memref<1x5120xi32, #tpu.memory_space<hbm>>
        %dma_start3A_140 = tpu.memref_squeeze %dma_start3A_139 : memref<1x5120xi32, #tpu.memory_space<hbm>> -> memref<5120xi32, #tpu.memory_space<hbm>>
        tpu.enqueue_dma source(%dma_start3A_140 : memref<5120xi32, #tpu.memory_space<hbm>>) target(%arg7 : memref<5120xi32, #tpu.memory_space<vmem>>) target_semaphore(%run_scoped3A_134 : memref<!tpu.dma_semaphore, #tpu.memory_space<semaphore_mem>>)
        %dma_wait3A_141 = arith.constant 5120 : i32
        %dma_wait3A_142 = tpu.memref_slice %arg4[%run_scoped3A_133, %dma_wait3A_141] : memref<2x10240xi32, #tpu.memory_space<hbm>> -> memref<1x5120xi32, #tpu.memory_space<hbm>>
        %dma_wait3A_143 = tpu.memref_squeeze %dma_wait3A_142 : memref<1x5120xi32, #tpu.memory_space<hbm>> -> memref<5120xi32, #tpu.memory_space<hbm>>
        %dma_wait3A_144 = arith.constant 5120 : i32
        %dma_wait3A_145 = tpu.memref_slice %arg4[%run_scoped3A_133, %dma_wait3A_144] : memref<2x10240xi32, #tpu.memory_space<hbm>> -> memref<1x5120xi32, #tpu.memory_space<hbm>>
        %dma_wait3A_146 = tpu.memref_squeeze %dma_wait3A_145 : memref<1x5120xi32, #tpu.memory_space<hbm>> -> memref<5120xi32, #tpu.memory_space<hbm>>
        tpu.wait_dma2 semaphore(%run_scoped3A_134 : memref<!tpu.dma_semaphore, #tpu.memory_space<semaphore_mem>>) src(%dma_wait3A_146 : memref<5120xi32, #tpu.memory_space<hbm>>) dst(%arg7 : memref<5120xi32, #tpu.memory_space<vmem>>)
        tpu.yield
      }) : () -> ()
    } else {
    }
    %dma_start3A_66 = arith.constant 0 : i32
    %dma_start3A_67 = tpu.memref_slice %arg6[%dma_start3A_66] : memref<5120xi32, #tpu.memory_space<vmem>> -> memref<128xi32, #tpu.memory_space<vmem>>
    %dma_start3A_68 = arith.constant 0 : i32
    %dma_start3A_69 = arith.constant 0 : i32
    %dma_start3A_70 = tpu.memref_slice %arg2[%dma_start3A_68, %dma_start3A_69] : memref<10240x128xf32, #tpu.memory_space<hbm>> -> memref<10240x128xf32, #tpu.memory_space<hbm>>
    tpu.enqueue_indirect_dma source(%dma_start3A_70 : memref<10240x128xf32, #tpu.memory_space<hbm>>) target(%arg8 : memref<128x128xf32, #tpu.memory_space<vmem>>) offsets(%dma_start3A_67 : memref<128xi32, #tpu.memory_space<vmem>>) semaphore(%arg11 : memref<!tpu.dma_semaphore, #tpu.memory_space<semaphore_mem>>)
    %dma_start3A_71 = arith.constant 128 : i32
    %dma_start3A_72 = tpu.memref_slice %arg6[%dma_start3A_71] : memref<5120xi32, #tpu.memory_space<vmem>> -> memref<128xi32, #tpu.memory_space<vmem>>
    %dma_start3A_73 = arith.constant 0 : i32
    %dma_start3A_74 = arith.constant 0 : i32
    %dma_start3A_75 = tpu.memref_slice %arg2[%dma_start3A_73, %dma_start3A_74] : memref<10240x128xf32, #tpu.memory_space<hbm>> -> memref<10240x128xf32, #tpu.memory_space<hbm>>
    tpu.enqueue_indirect_dma source(%dma_start3A_75 : memref<10240x128xf32, #tpu.memory_space<hbm>>) target(%arg9 : memref<128x128xf32, #tpu.memory_space<vmem>>) offsets(%dma_start3A_72 : memref<128xi32, #tpu.memory_space<vmem>>) semaphore(%arg12 : memref<!tpu.dma_semaphore, #tpu.memory_space<semaphore_mem>>)
    %scan3A_76 = arith.constant 0 : i32
    %scan3A_77 = arith.constant 0 : i32
    %scan3A_78 = arith.constant 20 : i32
    %scan3A_79 = arith.addi %scan3A_77, %scan3A_78 : i32
    %scan3A_80 = arith.constant 1 : i32
    scf.for %scan3A_133 = %scan3A_77 to %scan3A_79 step %scan3A_80  : i32 {
      %mul3A_134 = arith.constant 2 : i32
      %mul3A_135 = arith.muli %scan3A_133, %mul3A_134 : i32
      %add3A_136 = arith.constant 0 : i32
      %add3A_137 = arith.addi %mul3A_135, %add3A_136 : i32
      %mul3A_138 = arith.constant 128 : i32
      %mul3A_139 = arith.muli %add3A_137, %mul3A_138 : i32
      %dma_wait3A_140 = tpu.memref_slice %arg6[%mul3A_139] : memref<5120xi32, #tpu.memory_space<vmem>> -> memref<128xi32, #tpu.memory_space<vmem>>
      %dma_wait3A_141 = arith.constant 0 : i32
      %dma_wait3A_142 = arith.constant 0 : i32
      %dma_wait3A_143 = tpu.memref_slice %arg2[%dma_wait3A_141, %dma_wait3A_142] : memref<10240x128xf32, #tpu.memory_space<hbm>> -> memref<10240x128xf32, #tpu.memory_space<hbm>>
      tpu.wait_indirect_dma semaphore(%arg11 : memref<!tpu.dma_semaphore, #tpu.memory_space<semaphore_mem>>) src(%dma_wait3A_143 : memref<10240x128xf32, #tpu.memory_space<hbm>>) dst(%arg8 : memref<128x128xf32, #tpu.memory_space<vmem>>)
      %add3A_144 = arith.constant 0 : i32
      %add3A_145 = arith.addi %mul3A_135, %add3A_144 : i32
      %mul3A_146 = arith.constant 128 : i32
      %mul3A_147 = arith.muli %add3A_145, %mul3A_146 : i32
      "tpu.region"() ({
        %run_scoped3A = tpu.sem_alloc : memref<!tpu.dma_semaphore, #tpu.memory_space<semaphore_mem>>
        %dma_start3A_183 = tpu.memref_slice %arg7[%mul3A_147] : memref<5120xi32, #tpu.memory_space<vmem>> -> memref<128xi32, #tpu.memory_space<vmem>>
        %dma_start3A_184 = arith.constant 0 : i32
        %dma_start3A_185 = arith.constant 0 : i32
        %dma_start3A_186 = tpu.memref_slice %arg10[%dma_start3A_184, %dma_start3A_185] : memref<10240x128xf32, #tpu.memory_space<vmem_shared>> -> memref<10240x128xf32, #tpu.memory_space<vmem_shared>>
        tpu.enqueue_indirect_dma source(%arg8 : memref<128x128xf32, #tpu.memory_space<vmem>>) target(%dma_start3A_186 : memref<10240x128xf32, #tpu.memory_space<vmem_shared>>) offsets(%dma_start3A_183 : memref<128xi32, #tpu.memory_space<vmem>>) semaphore(%run_scoped3A : memref<!tpu.dma_semaphore, #tpu.memory_space<semaphore_mem>>) {add = true}
        %dma_wait3A_187 = tpu.memref_slice %arg7[%mul3A_147] : memref<5120xi32, #tpu.memory_space<vmem>> -> memref<128xi32, #tpu.memory_space<vmem>>
        %dma_wait3A_188 = arith.constant 0 : i32
        %dma_wait3A_189 = arith.constant 0 : i32
        %dma_wait3A_190 = tpu.memref_slice %arg10[%dma_wait3A_188, %dma_wait3A_189] : memref<10240x128xf32, #tpu.memory_space<vmem_shared>> -> memref<10240x128xf32, #tpu.memory_space<vmem_shared>>
        tpu.wait_indirect_dma semaphore(%run_scoped3A : memref<!tpu.dma_semaphore, #tpu.memory_space<semaphore_mem>>) src(%arg8 : memref<128x128xf32, #tpu.memory_space<vmem>>) dst(%dma_wait3A_190 : memref<10240x128xf32, #tpu.memory_space<vmem_shared>>)
        tpu.yield
      }) : () -> ()
      %add3A_148 = arith.constant 0 : i32
      %add3A_149 = arith.addi %mul3A_135, %add3A_148 : i32
      %add3A_150 = arith.constant 2 : i32
      %add3A_151 = arith.addi %add3A_149, %add3A_150 : i32
      %mul3A_152 = arith.constant 128 : i32
      %mul3A_153 = arith.muli %add3A_151, %mul3A_152 : i32
      %min3A = arith.constant 4992 : i32
      %min3A_154 = arith.minsi %mul3A_153, %min3A : i32
      %dma_start3A_155 = tpu.memref_slice %arg6[%min3A_154] : memref<5120xi32, #tpu.memory_space<vmem>> -> memref<128xi32, #tpu.memory_space<vmem>>
      %dma_start3A_156 = arith.constant 0 : i32
      %dma_start3A_157 = arith.constant 0 : i32
      %dma_start3A_158 = tpu.memref_slice %arg2[%dma_start3A_156, %dma_start3A_157] : memref<10240x128xf32, #tpu.memory_space<hbm>> -> memref<10240x128xf32, #tpu.memory_space<hbm>>
      tpu.enqueue_indirect_dma source(%dma_start3A_158 : memref<10240x128xf32, #tpu.memory_space<hbm>>) target(%arg8 : memref<128x128xf32, #tpu.memory_space<vmem>>) offsets(%dma_start3A_155 : memref<128xi32, #tpu.memory_space<vmem>>) semaphore(%arg11 : memref<!tpu.dma_semaphore, #tpu.memory_space<semaphore_mem>>)
      %add3A_159 = arith.constant 1 : i32
      %add3A_160 = arith.addi %mul3A_135, %add3A_159 : i32
      %mul3A_161 = arith.constant 128 : i32
      %mul3A_162 = arith.muli %add3A_160, %mul3A_161 : i32
      %dma_wait3A_163 = tpu.memref_slice %arg6[%mul3A_162] : memref<5120xi32, #tpu.memory_space<vmem>> -> memref<128xi32, #tpu.memory_space<vmem>>
      %dma_wait3A_164 = arith.constant 0 : i32
      %dma_wait3A_165 = arith.constant 0 : i32
      %dma_wait3A_166 = tpu.memref_slice %arg2[%dma_wait3A_164, %dma_wait3A_165] : memref<10240x128xf32, #tpu.memory_space<hbm>> -> memref<10240x128xf32, #tpu.memory_space<hbm>>
      tpu.wait_indirect_dma semaphore(%arg12 : memref<!tpu.dma_semaphore, #tpu.memory_space<semaphore_mem>>) src(%dma_wait3A_166 : memref<10240x128xf32, #tpu.memory_space<hbm>>) dst(%arg9 : memref<128x128xf32, #tpu.memory_space<vmem>>)
      %add3A_167 = arith.constant 1 : i32
      %add3A_168 = arith.addi %mul3A_135, %add3A_167 : i32
      %mul3A_169 = arith.constant 128 : i32
      %mul3A_170 = arith.muli %add3A_168, %mul3A_169 : i32
      "tpu.region"() ({
        %run_scoped3A = tpu.sem_alloc : memref<!tpu.dma_semaphore, #tpu.memory_space<semaphore_mem>>
        %dma_start3A_183 = tpu.memref_slice %arg7[%mul3A_170] : memref<5120xi32, #tpu.memory_space<vmem>> -> memref<128xi32, #tpu.memory_space<vmem>>
        %dma_start3A_184 = arith.constant 0 : i32
        %dma_start3A_185 = arith.constant 0 : i32
        %dma_start3A_186 = tpu.memref_slice %arg10[%dma_start3A_184, %dma_start3A_185] : memref<10240x128xf32, #tpu.memory_space<vmem_shared>> -> memref<10240x128xf32, #tpu.memory_space<vmem_shared>>
        tpu.enqueue_indirect_dma source(%arg9 : memref<128x128xf32, #tpu.memory_space<vmem>>) target(%dma_start3A_186 : memref<10240x128xf32, #tpu.memory_space<vmem_shared>>) offsets(%dma_start3A_183 : memref<128xi32, #tpu.memory_space<vmem>>) semaphore(%run_scoped3A : memref<!tpu.dma_semaphore, #tpu.memory_space<semaphore_mem>>) {add = true}
        %dma_wait3A_187 = tpu.memref_slice %arg7[%mul3A_170] : memref<5120xi32, #tpu.memory_space<vmem>> -> memref<128xi32, #tpu.memory_space<vmem>>
        %dma_wait3A_188 = arith.constant 0 : i32
        %dma_wait3A_189 = arith.constant 0 : i32
        %dma_wait3A_190 = tpu.memref_slice %arg10[%dma_wait3A_188, %dma_wait3A_189] : memref<10240x128xf32, #tpu.memory_space<vmem_shared>> -> memref<10240x128xf32, #tpu.memory_space<vmem_shared>>
        tpu.wait_indirect_dma semaphore(%run_scoped3A : memref<!tpu.dma_semaphore, #tpu.memory_space<semaphore_mem>>) src(%arg9 : memref<128x128xf32, #tpu.memory_space<vmem>>) dst(%dma_wait3A_190 : memref<10240x128xf32, #tpu.memory_space<vmem_shared>>)
        tpu.yield
      }) : () -> ()
      %add3A_171 = arith.constant 1 : i32
      %add3A_172 = arith.addi %mul3A_135, %add3A_171 : i32
      %add3A_173 = arith.constant 2 : i32
      %add3A_174 = arith.addi %add3A_172, %add3A_173 : i32
      %mul3A_175 = arith.constant 128 : i32
      %mul3A_176 = arith.muli %add3A_174, %mul3A_175 : i32
      %min3A_177 = arith.constant 4992 : i32
      %min3A_178 = arith.minsi %mul3A_176, %min3A_177 : i32
      %dma_start3A_179 = tpu.memref_slice %arg6[%min3A_178] : memref<5120xi32, #tpu.memory_space<vmem>> -> memref<128xi32, #tpu.memory_space<vmem>>
      %dma_start3A_180 = arith.constant 0 : i32
      %dma_start3A_181 = arith.constant 0 : i32
      %dma_start3A_182 = tpu.memref_slice %arg2[%dma_start3A_180, %dma_start3A_181] : memref<10240x128xf32, #tpu.memory_space<hbm>> -> memref<10240x128xf32, #tpu.memory_space<hbm>>
      tpu.enqueue_indirect_dma source(%dma_start3A_182 : memref<10240x128xf32, #tpu.memory_space<hbm>>) target(%arg9 : memref<128x128xf32, #tpu.memory_space<vmem>>) offsets(%dma_start3A_179 : memref<128xi32, #tpu.memory_space<vmem>>) semaphore(%arg12 : memref<!tpu.dma_semaphore, #tpu.memory_space<semaphore_mem>>)
    }
    %scan3A_81 = arith.constant 20 : i32
    %dma_wait3A_82 = arith.constant 0 : i32
    %dma_wait3A_83 = tpu.memref_slice %arg6[%dma_wait3A_82] : memref<5120xi32, #tpu.memory_space<vmem>> -> memref<128xi32, #tpu.memory_space<vmem>>
    %dma_wait3A_84 = arith.constant 0 : i32
    %dma_wait3A_85 = arith.constant 0 : i32
    %dma_wait3A_86 = tpu.memref_slice %arg2[%dma_wait3A_84, %dma_wait3A_85] : memref<10240x128xf32, #tpu.memory_space<hbm>> -> memref<10240x128xf32, #tpu.memory_space<hbm>>
    tpu.wait_indirect_dma semaphore(%arg11 : memref<!tpu.dma_semaphore, #tpu.memory_space<semaphore_mem>>) src(%dma_wait3A_86 : memref<10240x128xf32, #tpu.memory_space<hbm>>) dst(%arg8 : memref<128x128xf32, #tpu.memory_space<vmem>>)
    %dma_wait3A_87 = arith.constant 0 : i32
    %dma_wait3A_88 = tpu.memref_slice %arg6[%dma_wait3A_87] : memref<5120xi32, #tpu.memory_space<vmem>> -> memref<128xi32, #tpu.memory_space<vmem>>
    %dma_wait3A_89 = arith.constant 0 : i32
    %dma_wait3A_90 = arith.constant 0 : i32
    %dma_wait3A_91 = tpu.memref_slice %arg2[%dma_wait3A_89, %dma_wait3A_90] : memref<10240x128xf32, #tpu.memory_space<hbm>> -> memref<10240x128xf32, #tpu.memory_space<hbm>>
    tpu.wait_indirect_dma semaphore(%arg12 : memref<!tpu.dma_semaphore, #tpu.memory_space<semaphore_mem>>) src(%dma_wait3A_91 : memref<10240x128xf32, #tpu.memory_space<hbm>>) dst(%arg9 : memref<128x128xf32, #tpu.memory_space<vmem>>)
    %barrier3A_92 = arith.constant 0 : index
    tpu.barrier barrier_id(%barrier3A_92)
    %mul3A_93 = arith.constant 640 : i32
    %mul3A_94 = arith.muli %arg1, %mul3A_93 : i32
    %add3A_95 = arith.constant 0 : i32
    %add3A_96 = arith.addi %mul3A_94, %add3A_95 : i32
    %mul3A_97 = arith.constant 640 : i32
    %mul3A_98 = arith.muli %arg1, %mul3A_97 : i32
    %add3A_99 = arith.constant 0 : i32
    %add3A_100 = arith.addi %mul3A_98, %add3A_99 : i32
    "tpu.region"() ({
      %run_scoped3A = tpu.sem_alloc : memref<!tpu.dma_semaphore, #tpu.memory_space<semaphore_mem>>
      %dma_start3A_133 = arith.constant 0 : i32
      %dma_start3A_134 = tpu.memref_slice %arg5[%arg0, %add3A_100, %dma_start3A_133] : memref<2x10240x128xf32, #tpu.memory_space<hbm>> -> memref<1x128x128xf32, #tpu.memory_space<hbm>>
      %dma_start3A_135 = tpu.memref_squeeze %dma_start3A_134 : memref<1x128x128xf32, #tpu.memory_space<hbm>> -> memref<128x128xf32, #tpu.memory_space<hbm>>
      %dma_start3A_136 = arith.constant 0 : i32
      %dma_start3A_137 = tpu.memref_slice %arg10[%add3A_96, %dma_start3A_136] : memref<10240x128xf32, #tpu.memory_space<vmem_shared>> -> memref<128x128xf32, #tpu.memory_space<vmem_shared>>
      tpu.enqueue_dma source(%dma_start3A_137 : memref<128x128xf32, #tpu.memory_space<vmem_shared>>) target(%dma_start3A_135 : memref<128x128xf32, #tpu.memory_space<hbm>>) target_semaphore(%run_scoped3A : memref<!tpu.dma_semaphore, #tpu.memory_space<semaphore_mem>>)
      %dma_wait3A_138 = arith.constant 0 : i32
      %dma_wait3A_139 = tpu.memref_slice %arg5[%arg0, %add3A_100, %dma_wait3A_138] : memref<2x10240x128xf32, #tpu.memory_space<hbm>> -> memref<1x128x128xf32, #tpu.memory_space<hbm>>
      %dma_wait3A_140 = tpu.memref_squeeze %dma_wait3A_139 : memref<1x128x128xf32, #tpu.memory_space<hbm>> -> memref<128x128xf32, #tpu.memory_space<hbm>>
      %dma_wait3A_141 = arith.constant 0 : i32
      %dma_wait3A_142 = tpu.memref_slice %arg10[%add3A_96, %dma_wait3A_141] : memref<10240x128xf32, #tpu.memory_space<vmem_shared>> -> memref<128x128xf32, #tpu.memory_space<vmem_shared>>
      tpu.wait_dma2 semaphore(%run_scoped3A : memref<!tpu.dma_semaphore, #tpu.memory_space<semaphore_mem>>) src(%dma_wait3A_142 : memref<128x128xf32, #tpu.memory_space<vmem_shared>>) dst(%dma_wait3A_140 : memref<128x128xf32, #tpu.memory_space<hbm>>)
      tpu.yield
    }) : () -> ()
    %mul3A_101 = arith.constant 640 : i32
    %mul3A_102 = arith.muli %arg1, %mul3A_101 : i32
    %add3A_103 = arith.constant 128 : i32
    %add3A_104 = arith.addi %mul3A_102, %add3A_103 : i32
    %mul3A_105 = arith.constant 640 : i32
    %mul3A_106 = arith.muli %arg1, %mul3A_105 : i32
    %add3A_107 = arith.constant 128 : i32
    %add3A_108 = arith.addi %mul3A_106, %add3A_107 : i32
    "tpu.region"() ({
      %run_scoped3A = tpu.sem_alloc : memref<!tpu.dma_semaphore, #tpu.memory_space<semaphore_mem>>
      %dma_start3A_133 = arith.constant 0 : i32
      %dma_start3A_134 = tpu.memref_slice %arg5[%arg0, %add3A_108, %dma_start3A_133] : memref<2x10240x128xf32, #tpu.memory_space<hbm>> -> memref<1x128x128xf32, #tpu.memory_space<hbm>>
      %dma_start3A_135 = tpu.memref_squeeze %dma_start3A_134 : memref<1x128x128xf32, #tpu.memory_space<hbm>> -> memref<128x128xf32, #tpu.memory_space<hbm>>
      %dma_start3A_136 = arith.constant 0 : i32
      %dma_start3A_137 = tpu.memref_slice %arg10[%add3A_104, %dma_start3A_136] : memref<10240x128xf32, #tpu.memory_space<vmem_shared>> -> memref<128x128xf32, #tpu.memory_space<vmem_shared>>
      tpu.enqueue_dma source(%dma_start3A_137 : memref<128x128xf32, #tpu.memory_space<vmem_shared>>) target(%dma_start3A_135 : memref<128x128xf32, #tpu.memory_space<hbm>>) target_semaphore(%run_scoped3A : memref<!tpu.dma_semaphore, #tpu.memory_space<semaphore_mem>>)
      %dma_wait3A_138 = arith.constant 0 : i32
      %dma_wait3A_139 = tpu.memref_slice %arg5[%arg0, %add3A_108, %dma_wait3A_138] : memref<2x10240x128xf32, #tpu.memory_space<hbm>> -> memref<1x128x128xf32, #tpu.memory_space<hbm>>
      %dma_wait3A_140 = tpu.memref_squeeze %dma_wait3A_139 : memref<1x128x128xf32, #tpu.memory_space<hbm>> -> memref<128x128xf32, #tpu.memory_space<hbm>>
      %dma_wait3A_141 = arith.constant 0 : i32
      %dma_wait3A_142 = tpu.memref_slice %arg10[%add3A_104, %dma_wait3A_141] : memref<10240x128xf32, #tpu.memory_space<vmem_shared>> -> memref<128x128xf32, #tpu.memory_space<vmem_shared>>
      tpu.wait_dma2 semaphore(%run_scoped3A : memref<!tpu.dma_semaphore, #tpu.memory_space<semaphore_mem>>) src(%dma_wait3A_142 : memref<128x128xf32, #tpu.memory_space<vmem_shared>>) dst(%dma_wait3A_140 : memref<128x128xf32, #tpu.memory_space<hbm>>)
      tpu.yield
    }) : () -> ()
    %mul3A_109 = arith.constant 640 : i32
    %mul3A_110 = arith.muli %arg1, %mul3A_109 : i32
    %add3A_111 = arith.constant 256 : i32
    %add3A_112 = arith.addi %mul3A_110, %add3A_111 : i32
    %mul3A_113 = arith.constant 640 : i32
    %mul3A_114 = arith.muli %arg1, %mul3A_113 : i32
    %add3A_115 = arith.constant 256 : i32
    %add3A_116 = arith.addi %mul3A_114, %add3A_115 : i32
    "tpu.region"() ({
      %run_scoped3A = tpu.sem_alloc : memref<!tpu.dma_semaphore, #tpu.memory_space<semaphore_mem>>
      %dma_start3A_133 = arith.constant 0 : i32
      %dma_start3A_134 = tpu.memref_slice %arg5[%arg0, %add3A_116, %dma_start3A_133] : memref<2x10240x128xf32, #tpu.memory_space<hbm>> -> memref<1x128x128xf32, #tpu.memory_space<hbm>>
      %dma_start3A_135 = tpu.memref_squeeze %dma_start3A_134 : memref<1x128x128xf32, #tpu.memory_space<hbm>> -> memref<128x128xf32, #tpu.memory_space<hbm>>
      %dma_start3A_136 = arith.constant 0 : i32
      %dma_start3A_137 = tpu.memref_slice %arg10[%add3A_112, %dma_start3A_136] : memref<10240x128xf32, #tpu.memory_space<vmem_shared>> -> memref<128x128xf32, #tpu.memory_space<vmem_shared>>
      tpu.enqueue_dma source(%dma_start3A_137 : memref<128x128xf32, #tpu.memory_space<vmem_shared>>) target(%dma_start3A_135 : memref<128x128xf32, #tpu.memory_space<hbm>>) target_semaphore(%run_scoped3A : memref<!tpu.dma_semaphore, #tpu.memory_space<semaphore_mem>>)
      %dma_wait3A_138 = arith.constant 0 : i32
      %dma_wait3A_139 = tpu.memref_slice %arg5[%arg0, %add3A_116, %dma_wait3A_138] : memref<2x10240x128xf32, #tpu.memory_space<hbm>> -> memref<1x128x128xf32, #tpu.memory_space<hbm>>
      %dma_wait3A_140 = tpu.memref_squeeze %dma_wait3A_139 : memref<1x128x128xf32, #tpu.memory_space<hbm>> -> memref<128x128xf32, #tpu.memory_space<hbm>>
      %dma_wait3A_141 = arith.constant 0 : i32
      %dma_wait3A_142 = tpu.memref_slice %arg10[%add3A_112, %dma_wait3A_141] : memref<10240x128xf32, #tpu.memory_space<vmem_shared>> -> memref<128x128xf32, #tpu.memory_space<vmem_shared>>
      tpu.wait_dma2 semaphore(%run_scoped3A : memref<!tpu.dma_semaphore, #tpu.memory_space<semaphore_mem>>) src(%dma_wait3A_142 : memref<128x128xf32, #tpu.memory_space<vmem_shared>>) dst(%dma_wait3A_140 : memref<128x128xf32, #tpu.memory_space<hbm>>)
      tpu.yield
    }) : () -> ()
    %mul3A_117 = arith.constant 640 : i32
    %mul3A_118 = arith.muli %arg1, %mul3A_117 : i32
    %add3A_119 = arith.constant 384 : i32
    %add3A_120 = arith.addi %mul3A_118, %add3A_119 : i32
    %mul3A_121 = arith.constant 640 : i32
    %mul3A_122 = arith.muli %arg1, %mul3A_121 : i32
    %add3A_123 = arith.constant 384 : i32
    %add3A_124 = arith.addi %mul3A_122, %add3A_123 : i32
    "tpu.region"() ({
      %run_scoped3A = tpu.sem_alloc : memref<!tpu.dma_semaphore, #tpu.memory_space<semaphore_mem>>
      %dma_start3A_133 = arith.constant 0 : i32
      %dma_start3A_134 = tpu.memref_slice %arg5[%arg0, %add3A_124, %dma_start3A_133] : memref<2x10240x128xf32, #tpu.memory_space<hbm>> -> memref<1x128x128xf32, #tpu.memory_space<hbm>>
      %dma_start3A_135 = tpu.memref_squeeze %dma_start3A_134 : memref<1x128x128xf32, #tpu.memory_space<hbm>> -> memref<128x128xf32, #tpu.memory_space<hbm>>
      %dma_start3A_136 = arith.constant 0 : i32
      %dma_start3A_137 = tpu.memref_slice %arg10[%add3A_120, %dma_start3A_136] : memref<10240x128xf32, #tpu.memory_space<vmem_shared>> -> memref<128x128xf32, #tpu.memory_space<vmem_shared>>
      tpu.enqueue_dma source(%dma_start3A_137 : memref<128x128xf32, #tpu.memory_space<vmem_shared>>) target(%dma_start3A_135 : memref<128x128xf32, #tpu.memory_space<hbm>>) target_semaphore(%run_scoped3A : memref<!tpu.dma_semaphore, #tpu.memory_space<semaphore_mem>>)
      %dma_wait3A_138 = arith.constant 0 : i32
      %dma_wait3A_139 = tpu.memref_slice %arg5[%arg0, %add3A_124, %dma_wait3A_138] : memref<2x10240x128xf32, #tpu.memory_space<hbm>> -> memref<1x128x128xf32, #tpu.memory_space<hbm>>
      %dma_wait3A_140 = tpu.memref_squeeze %dma_wait3A_139 : memref<1x128x128xf32, #tpu.memory_space<hbm>> -> memref<128x128xf32, #tpu.memory_space<hbm>>
      %dma_wait3A_141 = arith.constant 0 : i32
      %dma_wait3A_142 = tpu.memref_slice %arg10[%add3A_120, %dma_wait3A_141] : memref<10240x128xf32, #tpu.memory_space<vmem_shared>> -> memref<128x128xf32, #tpu.memory_space<vmem_shared>>
      tpu.wait_dma2 semaphore(%run_scoped3A : memref<!tpu.dma_semaphore, #tpu.memory_space<semaphore_mem>>) src(%dma_wait3A_142 : memref<128x128xf32, #tpu.memory_space<vmem_shared>>) dst(%dma_wait3A_140 : memref<128x128xf32, #tpu.memory_space<hbm>>)
      tpu.yield
    }) : () -> ()
    %mul3A_125 = arith.constant 640 : i32
    %mul3A_126 = arith.muli %arg1, %mul3A_125 : i32
    %add3A_127 = arith.constant 512 : i32
    %add3A_128 = arith.addi %mul3A_126, %add3A_127 : i32
    %mul3A_129 = arith.constant 640 : i32
    %mul3A_130 = arith.muli %arg1, %mul3A_129 : i32
    %add3A_131 = arith.constant 512 : i32
    %add3A_132 = arith.addi %mul3A_130, %add3A_131 : i32
    "tpu.region"() ({
      %run_scoped3A = tpu.sem_alloc : memref<!tpu.dma_semaphore, #tpu.memory_space<semaphore_mem>>
      %dma_start3A_133 = arith.constant 0 : i32
      %dma_start3A_134 = tpu.memref_slice %arg5[%arg0, %add3A_132, %dma_start3A_133] : memref<2x10240x128xf32, #tpu.memory_space<hbm>> -> memref<1x128x128xf32, #tpu.memory_space<hbm>>
      %dma_start3A_135 = tpu.memref_squeeze %dma_start3A_134 : memref<1x128x128xf32, #tpu.memory_space<hbm>> -> memref<128x128xf32, #tpu.memory_space<hbm>>
      %dma_start3A_136 = arith.constant 0 : i32
      %dma_start3A_137 = tpu.memref_slice %arg10[%add3A_128, %dma_start3A_136] : memref<10240x128xf32, #tpu.memory_space<vmem_shared>> -> memref<128x128xf32, #tpu.memory_space<vmem_shared>>
      tpu.enqueue_dma source(%dma_start3A_137 : memref<128x128xf32, #tpu.memory_space<vmem_shared>>) target(%dma_start3A_135 : memref<128x128xf32, #tpu.memory_space<hbm>>) target_semaphore(%run_scoped3A : memref<!tpu.dma_semaphore, #tpu.memory_space<semaphore_mem>>)
      %dma_wait3A_138 = arith.constant 0 : i32
      %dma_wait3A_139 = tpu.memref_slice %arg5[%arg0, %add3A_132, %dma_wait3A_138] : memref<2x10240x128xf32, #tpu.memory_space<hbm>> -> memref<1x128x128xf32, #tpu.memory_space<hbm>>
      %dma_wait3A_140 = tpu.memref_squeeze %dma_wait3A_139 : memref<1x128x128xf32, #tpu.memory_space<hbm>> -> memref<128x128xf32, #tpu.memory_space<hbm>>
      %dma_wait3A_141 = arith.constant 0 : i32
      %dma_wait3A_142 = tpu.memref_slice %arg10[%add3A_128, %dma_wait3A_141] : memref<10240x128xf32, #tpu.memory_space<vmem_shared>> -> memref<128x128xf32, #tpu.memory_space<vmem_shared>>
      tpu.wait_dma2 semaphore(%run_scoped3A : memref<!tpu.dma_semaphore, #tpu.memory_space<semaphore_mem>>) src(%dma_wait3A_142 : memref<128x128xf32, #tpu.memory_space<vmem_shared>>) dst(%dma_wait3A_140 : memref<128x128xf32, #tpu.memory_space<hbm>>)
      tpu.yield
    }) : () -> ()
    return
  }
}

module attributes {stable_mosaic.version = 14 : i64} {
  func.func @mm_body(%arg0: i32, %arg1: memref<2048x128xf32, #tpu.memory_space<vmem>>, %arg2: memref<128x128xf32, #tpu.memory_space<vmem>>, %arg3: memref<1x128xf32, #tpu.memory_space<vmem>>, %arg4: memref<2x2048xf32, #tpu.memory_space<vmem>>, %arg5: memref<2048x128xf32, #tpu.memory_space<vmem>>) attributes {dimension_semantics = [#tpu.dimension_semantics<arbitrary>], iteration_bounds = array<i64: 5>, scalar_prefetch = 0 : i64, scratch_operands = 0 : i64, tpu.core_type = #tpu.core_type<tc>, window_params = [{transform_indices = @transform_0, window_bounds = array<i64: 2048, 128>}, {pipeline_mode = #tpu.pipeline_mode<synchronous>, transform_indices = @transform_1, window_bounds = array<i64: 128, 128>}, {pipeline_mode = #tpu.pipeline_mode<synchronous>, transform_indices = @transform_2, window_bounds = array<i64: 1, 128>}, {transform_indices = @transform_3, window_bounds = array<i64: 2, 2048>}, {transform_indices = @transform_4, window_bounds = array<i64: 2048, 128>}]} {
    %get3A = arith.constant 0 : index
    %get3A_0 = arith.constant 0 : index
    %get3A_1 = vector.load %arg4[%get3A, %get3A_0] : memref<2x2048xf32, #tpu.memory_space<vmem>>, vector<1x2048xf32>
    %get3A_2 = arith.constant 1 : index
    %get3A_3 = arith.constant 0 : index
    %get3A_4 = vector.load %arg4[%get3A_2, %get3A_3] : memref<2x2048xf32, #tpu.memory_space<vmem>>, vector<1x2048xf32>
    %add3A = arith.addf %get3A_1, %get3A_4 : vector<1x2048xf32>
    %add3A_5 = arith.constant 1.000000e+00 : f32
    %add3A_6 = vector.broadcast %add3A_5 : f32 to vector<1x2048xf32>
    %add3A_7 = arith.addf %add3A, %add3A_6 : vector<1x2048xf32>
    %max3A = arith.constant 1.000000e+00 : f32
    %max3A_8 = vector.broadcast %max3A : f32 to vector<1x2048xf32>
    %max3A_9 = arith.maximumf %add3A_7, %max3A_8 : vector<1x2048xf32>
    %rsqrt3A = math.rsqrt %max3A_9 : vector<1x2048xf32>
    %transpose3A = tpu.transpose %rsqrt3A, [1, 0] : vector<1x2048xf32> -> vector<2048x1xf32>
    %get3A_10 = arith.constant 0 : index
    %get3A_11 = arith.constant 0 : index
    %get3A_12 = vector.load %arg1[%get3A_10, %get3A_11] : memref<2048x128xf32, #tpu.memory_space<vmem>>, vector<2048x128xf32>
    %get3A_13 = arith.constant 0 : index
    %get3A_14 = arith.constant 0 : index
    %get3A_15 = vector.load %arg2[%get3A_13, %get3A_14] : memref<128x128xf32, #tpu.memory_space<vmem>>, vector<128x128xf32>
    %dot_general3A = arith.constant dense<0.000000e+00> : vector<2048x128xf32>
    %dot_general3A_16 = tpu.matmul %get3A_12, %get3A_15, %dot_general3A {dimension_numbers = #tpu.dot_dimension_numbers<[1], [0], [0], [1], [0, 0, 1, 1], [], []>, transpose_lhs_hint = false} : vector<2048x128xf32>, vector<128x128xf32>, vector<2048x128xf32> -> vector<2048x128xf32>
    %get3A_17 = arith.constant 0 : index
    %get3A_18 = arith.constant 0 : index
    %get3A_19 = vector.load %arg3[%get3A_17, %get3A_18] : memref<1x128xf32, #tpu.memory_space<vmem>>, vector<1x128xf32>
    %add3A_20 = vector.broadcast %get3A_19 : vector<1x128xf32> to vector<2048x128xf32>
    %add3A_21 = arith.addf %dot_general3A_16, %add3A_20 : vector<2048x128xf32>
    %mul3A = vector.broadcast %transpose3A : vector<2048x1xf32> to vector<2048x128xf32>
    %mul3A_22 = arith.mulf %add3A_21, %mul3A : vector<2048x128xf32>
    %swap3A = arith.constant 0 : index
    %swap3A_23 = arith.constant 0 : index
    %swap3A_24 = vector.load %arg5[%swap3A, %swap3A_23] : memref<2048x128xf32, #tpu.memory_space<vmem>>, vector<2048x128xf32>
    tpu.vector_store %arg5[%swap3A, %swap3A_23], %mul3A_22 {strides = array<i32>} : memref<2048x128xf32, #tpu.memory_space<vmem>>, vector<2048x128xf32>,
    return
  }
  func.func @transform_0(%arg0: i32) -> (i32, i32) {
    %c0_i32 = arith.constant 0 : i32
    %c0_i32_0 = arith.constant 0 : i32
    return %arg0, %c0_i32 : i32, i32
  }
  func.func @transform_1(%arg0: i32) -> (i32, i32) {
    %c0_i32 = arith.constant 0 : i32
    %c0_i32_0 = arith.constant 0 : i32
    %c0_i32_1 = arith.constant 0 : i32
    return %c0_i32, %c0_i32_0 : i32, i32
  }
  func.func @transform_2(%arg0: i32) -> (i32, i32) {
    %c0_i32 = arith.constant 0 : i32
    %c0_i32_0 = arith.constant 0 : i32
    %c0_i32_1 = arith.constant 0 : i32
    return %c0_i32, %c0_i32_0 : i32, i32
  }
  func.func @transform_3(%arg0: i32) -> (i32, i32) {
    %c0_i32 = arith.constant 0 : i32
    %c0_i32_0 = arith.constant 0 : i32
    return %c0_i32, %arg0 : i32, i32
  }
  func.func @transform_4(%arg0: i32) -> (i32, i32) {
    %c0_i32 = arith.constant 0 : i32
    %c0_i32_0 = arith.constant 0 : i32
    return %arg0, %c0_i32 : i32, i32
  }
}

module attributes {stable_mosaic.version = 14 : i64} {
  func.func @fin_body(%arg0: i32, %arg1: memref<1x2048x128xf32, #tpu.memory_space<vmem>>, %arg2: memref<1x2048x128xf32, #tpu.memory_space<vmem>>, %arg3: memref<2048x128xf32, #tpu.memory_space<vmem>>, %arg4: memref<2x2048xf32, #tpu.memory_space<vmem>>, %arg5: memref<2048x128xf32, #tpu.memory_space<vmem>>) attributes {dimension_semantics = [#tpu.dimension_semantics<arbitrary>], iteration_bounds = array<i64: 5>, scalar_prefetch = 0 : i64, scratch_operands = 0 : i64, tpu.core_type = #tpu.core_type<tc>, window_params = [{transform_indices = @transform_0, window_bounds = array<i64: 1, 2048, 128>}, {transform_indices = @transform_1, window_bounds = array<i64: 1, 2048, 128>}, {transform_indices = @transform_2, window_bounds = array<i64: 2048, 128>}, {transform_indices = @transform_3, window_bounds = array<i64: 2, 2048>}, {transform_indices = @transform_4, window_bounds = array<i64: 2048, 128>}]} {
    %get3A = arith.constant 0 : index
    %get3A_0 = arith.constant 0 : index
    %get3A_1 = vector.load %arg4[%get3A, %get3A_0] : memref<2x2048xf32, #tpu.memory_space<vmem>>, vector<1x2048xf32>
    %get3A_2 = arith.constant 1 : index
    %get3A_3 = arith.constant 0 : index
    %get3A_4 = vector.load %arg4[%get3A_2, %get3A_3] : memref<2x2048xf32, #tpu.memory_space<vmem>>, vector<1x2048xf32>
    %add3A = arith.addf %get3A_1, %get3A_4 : vector<1x2048xf32>
    %add3A_5 = arith.constant 1.000000e+00 : f32
    %add3A_6 = vector.broadcast %add3A_5 : f32 to vector<1x2048xf32>
    %add3A_7 = arith.addf %add3A, %add3A_6 : vector<1x2048xf32>
    %max3A = arith.constant 1.000000e+00 : f32
    %max3A_8 = vector.broadcast %max3A : f32 to vector<1x2048xf32>
    %max3A_9 = arith.maximumf %add3A_7, %max3A_8 : vector<1x2048xf32>
    %rsqrt3A = math.rsqrt %max3A_9 : vector<1x2048xf32>
    %transpose3A = tpu.transpose %rsqrt3A, [1, 0] : vector<1x2048xf32> -> vector<2048x1xf32>
    %get3A_10 = arith.constant 0 : index
    %get3A_11 = arith.constant 0 : index
    %get3A_12 = arith.constant 0 : index
    %get3A_13 = vector.load %arg1[%get3A_10, %get3A_11, %get3A_12] : memref<1x2048x128xf32, #tpu.memory_space<vmem>>, vector<1x2048x128xf32>
    %get3A_14 = vector.shape_cast %get3A_13 : vector<1x2048x128xf32> to vector<2048x128xf32>
    %get3A_15 = arith.constant 0 : index
    %get3A_16 = arith.constant 0 : index
    %get3A_17 = arith.constant 0 : index
    %get3A_18 = vector.load %arg2[%get3A_15, %get3A_16, %get3A_17] : memref<1x2048x128xf32, #tpu.memory_space<vmem>>, vector<1x2048x128xf32>
    %get3A_19 = vector.shape_cast %get3A_18 : vector<1x2048x128xf32> to vector<2048x128xf32>
    %add3A_20 = arith.addf %get3A_14, %get3A_19 : vector<2048x128xf32>
    %get3A_21 = arith.constant 0 : index
    %get3A_22 = arith.constant 0 : index
    %get3A_23 = vector.load %arg3[%get3A_21, %get3A_22] : memref<2048x128xf32, #tpu.memory_space<vmem>>, vector<2048x128xf32>
    %add3A_24 = arith.addf %add3A_20, %get3A_23 : vector<2048x128xf32>
    %mul3A = vector.broadcast %transpose3A : vector<2048x1xf32> to vector<2048x128xf32>
    %mul3A_25 = arith.mulf %add3A_24, %mul3A : vector<2048x128xf32>
    %max3A_26 = arith.constant 0.000000e+00 : f32
    %max3A_27 = vector.broadcast %max3A_26 : f32 to vector<2048x128xf32>
    %max3A_28 = arith.maximumf %mul3A_25, %max3A_27 : vector<2048x128xf32>
    %swap3A = arith.constant 0 : index
    %swap3A_29 = arith.constant 0 : index
    %swap3A_30 = vector.load %arg5[%swap3A, %swap3A_29] : memref<2048x128xf32, #tpu.memory_space<vmem>>, vector<2048x128xf32>
    tpu.vector_store %arg5[%swap3A, %swap3A_29], %max3A_28 {strides = array<i32>} : memref<2048x128xf32, #tpu.memory_space<vmem>>, vector<2048x128xf32>,
    return
  }
  func.func @transform_0(%arg0: i32) -> (i32, i32, i32) {
    %c0_i32 = arith.constant 0 : i32
    %c0_i32_0 = arith.constant 0 : i32
    %c0_i32_1 = arith.constant 0 : i32
    return %c0_i32, %arg0, %c0_i32_0 : i32, i32, i32
  }
  func.func @transform_1(%arg0: i32) -> (i32, i32, i32) {
    %c1_i32 = arith.constant 1 : i32
    %c0_i32 = arith.constant 0 : i32
    %c0_i32_0 = arith.constant 0 : i32
    return %c1_i32, %arg0, %c0_i32 : i32, i32, i32
  }
  func.func @transform_2(%arg0: i32) -> (i32, i32) {
    %c0_i32 = arith.constant 0 : i32
    %c0_i32_0 = arith.constant 0 : i32
    return %arg0, %c0_i32 : i32, i32
  }
  func.func @transform_3(%arg0: i32) -> (i32, i32) {
    %c0_i32 = arith.constant 0 : i32
    %c0_i32_0 = arith.constant 0 : i32
    return %c0_i32, %arg0 : i32, i32
  }
  func.func @transform_4(%arg0: i32) -> (i32, i32) {
    %c0_i32 = arith.constant 0 : i32
    %c0_i32_0 = arith.constant 0 : i32
    return %arg0, %c0_i32 : i32, i32
  }
}

</mosaic_0001>

<sc_bundles>
// kernel: kernel.6.cloned.1.call-start
scs
__scs_entry_jumppad:
0x0: {  	(pc) =	sbr.rel $0x88, $3  }
0x1: {  	(tag) =	ssettag $0x0;
	lr =	simm.s32 $0x1  }
0x2: {  	[smem:$0x3F9D] =	sst lr;
	_ =	strace $0xD0000000  }
0x3: {  	_ = 	snop  }
0x4: {  	_ = 	snop  }
0x5: {  	_ = 	snop  }
0x6: {  	_ = 	snop  }
0x7: {  	_ = 	snop  }
__scs_overlays_trampoline_lowered:
0x8: {  	[smem:$0x3FAC] =	sst s0  }
0x9: {  	[smem:$0x3FAD] =	sst s1  }
0xa: {  	[smem:$0x3FAE] =	sst s2  }
0xb: {  	[smem:$0x3FAF] =	sst s3  }
0xc: {  	[smem:$0x3FB0] =	sst s4  }
0xd: {  	[smem:$0x3FB1] =	sst s5  }
0xe: {  	[smem:$0x3FB2] =	sst s6  }
0xf: {  	[smem:$0x3FB3] =	sst s7  }
0x10: {  	[smem:$0x3FB4] =	sst s8  }
0x11: {  	[smem:$0x3FB5] =	sst s9;
	s0 =	simm.s32 @!p0 $0x0  }
0x12: {  	s1 =	sld [smem:$0x3F9B];
	s0 =	simm.s32 @p0 $0x1  }
0x13: {  	[smem:$0x3FB6] =	sst s0;
	s0 =	simm.s32 @!p1 $0x0  }
0x14: {  	s2 =	sld [smem:$0x3F9A];
	s0 =	simm.s32 @p1 $0x1  }
0x15: {  	[smem:$0x3FB7] =	sst s0;
	s0 =	simm.s32 @!p2 $0x0  }
0x16: {  	s3 =	sld [smem:$0x3FDB];
	s0 =	simm.s32 @p2 $0x1  }
0x17: {  	s4 =	simm.s32 $0x1BF5;
	[smem:$0x3FB9] =	sst s0  }
0x18: {  	s0 =	sld [smem:$0x3F9C];
	_ =	swait.ge [sflag:s4], $0x0  }
0x19: {  	s7 =	sld [smem:$0x3F9D]  }
0x1a: {  	s8 =	sadd.s32 $0xFFFFE003, lr  }
0x1b: {  	s9 =	sadd.s32 $0xFFFFFEF7, lr;
	s5 =	simm.s32 $0xFFFFFFFF;
	p2 =	slt.u32 s8, $0xFFFFF086  }
0x1c: {  	p1 =	slt.u32 s9, $0xF7A;
	s5 =	simm.s32 @!p2 $0x0  }
0x1d: {  	s5 =	simm.s32 @p1 $0x1;
	p0 =	seq.s32 s7, s2  }
0x1e: {  	s7 =	smul.u32 @!p0 $0xF7A, s2;
	p2 =	seq.s32 @!p0 s5, $0x0  }
0x1f: {  	s9 =	smul.u32 $0xF7A, s1;
	s8 =	simm.s32 @!p0 $0x1BF5;
	p2 =	por !p2, p0  }
0x20: {  	[sflag:s8] =	ssyncset.s32 @!p0 $0xFFFFF086;
	s6 =	sadd.s32 @!p0 s3, s7;
	s7 =	simm.s32 @!p0 $0x108  }
0x21: {  	s3 =	sadd.s32 s3, s9;
	s6 =	sadd.s32 @!p0 $0x88, s6;
	s7 =	simm.s32 @p2 $0x1082  }
0x22: {  	[simem:s7], [sflag:s8] =	dma.local @!p0 [hbm:s6], $0xF7A  }
0x23: {  	s9 =	sor.u32 $0xD0000000, s2;
	s6 =	simm.s32 $0x108;
	_ =	swait.ge @!p0 [sflag:s8], $0x0  }
0x24: {  	s3 =	sadd.s32 $0x88, s3;
	s6 =	simm.s32 @!p1 $0x1082;
	[sflag:s4] =	ssyncset.s32 $0xFFFFF086  }
0x25: {  	[simem:s6], [sflag:s4] =	dma.local [hbm:s3], $0xF7A  }
0x26: {  	[smem:$0x3F9D] =	sst s1;
	(tag) =	ssettag s2;
	_ =	strace s9  }
0x27: {  	s1 =	sld [smem:$0x3FAD]  }
0x28: {  	s2 =	sld [smem:$0x3FAE]  }
0x29: {  	s4 =	sld [smem:$0x3FB0]  }
0x2a: {  	p0 =	seq.s32 s5, $0x0;
	s5 =	sld [smem:$0x3FB1]  }
0x2b: {  	s6 =	sld [smem:$0x3FB2]  }
0x2c: {  	s7 =	sld [smem:$0x3FB3]  }
0x2d: {  	s3 =	simm.s32 $0x108;
	s8 =	sld [smem:$0x3FB4]  }
0x2e: {  	s3 =	simm.s32 @!p0 $0x1082;
	s9 =	sld [smem:$0x3FB5]  }
0x2f: {  	lr =	sadd.s32 s0, s3;
	s0 =	sld [smem:$0x3FAC]  }
0x30: {  	s3 =	sld [smem:$0x3FAF]  }
0x31: {  	[smem:$0x3FB8] =	sst s10  }
0x32: {  	s10 =	sld [smem:$0x3FB6];
	_ =	sdelay $0x3  }
0x33: {  	p0 =	seq.s32 s10, $0x1;
	s10 =	sld [smem:$0x3FB8];
	_ =	sdelay $0x3  }
0x34: {  	[smem:$0x3FB8] =	sst s10  }
0x35: {  	s10 =	sld [smem:$0x3FB7];
	_ =	sdelay $0x3  }
0x36: {  	p1 =	seq.s32 s10, $0x1;
	s10 =	sld [smem:$0x3FB8];
	_ =	sdelay $0x3  }
0x37: {  	[smem:$0x3FB8] =	sst s10  }
0x38: {  	s10 =	sld [smem:$0x3FB9]  }
0x39: {  	_ = 	snop;
	(pc) =	sbr.ind lr, $3  }
0x3a: {  	_ = 	snop  }
0x3b: {  	_ = 	snop  }
0x3c: {  	p2 =	seq.s32 s10, $0x1;
	s10 =	sld [smem:$0x3FB8]  }
0x3d: {  	_ =	shalt  }
0x3e: {  	_ =	shalt  }
0x3f: {  	_ =	shalt  }
0x40: {  	_ =	shalt  }
0x41: {  	_ =	shalt  }
0x42: {  	_ =	shalt  }
0x43: {  	_ =	shalt  }
0x44: {  	_ =	shalt  }
0x45: {  	_ =	shalt  }
0x46: {  	_ =	shalt  }
0x47: {  	_ =	shalt  }
0x48: {  	_ =	shalt  }
0x49: {  	_ =	shalt  }
0x4a: {  	_ =	shalt  }
0x4b: {  	_ =	shalt  }
0x4c: {  	_ =	shalt  }
0x4d: {  	_ =	shalt  }
0x4e: {  	_ =	shalt  }
0x4f: {  	_ =	shalt  }
0x50: {  	_ =	shalt  }
0x51: {  	_ =	shalt  }
0x52: {  	_ =	shalt  }
0x53: {  	_ =	shalt  }
0x54: {  	_ =	shalt  }
0x55: {  	_ =	shalt  }
0x56: {  	_ =	shalt  }
0x57: {  	_ =	shalt  }
0x58: {  	_ =	shalt  }
0x59: {  	_ =	shalt  }
0x5a: {  	_ =	shalt  }
0x5b: {  	_ =	shalt  }
0x5c: {  	_ =	shalt  }
0x5d: {  	_ =	shalt  }
0x5e: {  	_ =	shalt  }
0x5f: {  	_ =	shalt  }
0x60: {  	_ =	shalt  }
0x61: {  	_ =	shalt  }
0x62: {  	_ =	shalt  }
0x63: {  	_ =	shalt  }
0x64: {  	_ =	shalt  }
0x65: {  	_ =	shalt  }
0x66: {  	_ =	shalt  }
0x67: {  	_ =	shalt  }
0x68: {  	_ =	shalt  }
0x69: {  	_ =	shalt  }
0x6a: {  	_ =	shalt  }
0x6b: {  	_ =	shalt  }
0x6c: {  	_ =	shalt  }
0x6d: {  	_ =	shalt  }
0x6e: {  	_ =	shalt  }
0x6f: {  	_ =	shalt  }
0x70: {  	_ =	shalt  }
0x71: {  	_ =	shalt  }
0x72: {  	_ =	shalt  }
0x73: {  	_ =	shalt  }
0x74: {  	_ =	shalt  }
0x75: {  	_ =	shalt  }
0x76: {  	_ =	shalt  }
0x77: {  	_ =	shalt  }
0x78: {  	_ =	shalt  }
0x79: {  	_ =	shalt  }
0x7a: {  	_ =	shalt  }
0x7b: {  	_ =	shalt  }
0x7c: {  	_ =	shalt  }
0x7d: {  	_ =	shalt  }
0x7e: {  	_ =	shalt  }
0x7f: {  	_ =	shalt  }
0x80: {  	_ =	shalt  }
0x81: {  	_ =	shalt  }
0x82: {  	_ =	shalt  }
0x83: {  	_ =	shalt  }
0x84: {  	_ =	shalt  }
0x85: {  	_ =	shalt  }
0x86: {  	_ =	shalt  }
0x87: {  	_ =	shalt  }
.Lfunc_end0:
.L_simem_size_0:
called_computation_lowered:
.L_overlay_start_0:
0x88: {  	s2 =	sld [smem:$0x3FD9]  }
0x89: {  	s3 =	sld [smem:$0x3FFE];
	_ =	sdelay $0x1  }
0x8a: {  	s1 =	srdreg.scid  }
0x8b: {  	s0 =	sand.u32 $0x1, s1  }
0x8c: {  	s17 =	sshll.u32 s0, $0xA;
	s2 =	sadd.s32 s3, s2  }
0x8d: {  	s2 =	sadd.s32 s2, s17  }
0x8e: {  	[smem:$0x3FC4] =	sst s2  }
0x8f: {  	_ = 	snop  }
0x90: {  	s2 =	sld [smem:$0x3FC8]  }
0x91: {  	s18 =	sld [smem:$0x3FD0];
	(tm) =	ssettm $0x1  }
0x92: {  	s4 =	sld [smem:$0x3FFB];
	_ =	sdelay $0x3  }
0x93: {  	_ =	strace s4  }
0x94: {  	s4 =	sld [smem:$0x3FFC];
	_ =	sdelay $0x3  }
0x95: {  	_ =	strace s4  }
0x96: {  	s4 =	sld [smem:$0x3FFD];
	_ =	sdelay $0x3  }
0x97: {  	_ =	strace s4  }
0x98: {  	_ =	strace $0x8FFFFFFF  }
0x99: {  	s19 =	sld [smem:$0x3FDB];
	_ =	sdelay $0x1  }
0x9a: {  	s5 =	simm.s32 $_scs_section_size  }
0x9b: {  	s6 =	simm.s32 $_size__tile_overlayer_lowered;
	s7 =	simm.s32 $_tile_overlayer_lowered  }
0x9c: {  	s22 =	simm.s32 $0x1BFF;
	s21 =	sshll.u32 s7, $0x1;
	s4 =	sadd.s32 s5, s19  }
0x9d: {  	s8 =	simm.s32 $0x0;
	s20 =	sshll.u32 s6, $0x1;
	s6 =	sadd.s32 s21, s4  }
0x9e: {  	[timem:s8], [sflag:s22] =	dma.local [hbm:s6], s20  }
0x9f: {  	_ =	swait.ge [sflag:s22], s20  }
0xa0: {  	s5 =	ssub.s32 $0x0, s20;
	[sflag:s22] =	ssyncset.done $0x0  }
0xa1: {  	[sflag:s22] =	ssyncadd.s32 s5;
	_ =	sdelay $0x1  }
0xa2: {  	s23 =	simm.s32 $0x1B8B  }
0xa3: {  	_ =	swait.ge [sflag:s23], $0x1  }
0xa4: {  	[sflag:s23] =	ssyncset.done $0x0  }
0xa5: {  	s25 =	simm.s32 $0x1B8E;
	s24 =	sld [smem:$0x3FFE];
	[sflag:s23] =	ssyncadd.s32 $0xFFFFFFFF  }
0xa6: {  	s26 =	simm.s32 $execute0_lowered;
	[smem:$0x3FD2] =	sst s25  }
0xa7: {  	s6 =	sshll.u32 s26, $0x1;
	_ =	strace $0x80000046;
	[dreg:$0x1] =	wrdreg $0xFFFFFFFF  }
0xa8: {  	s28 =	simm.s32 $_size_execute0_lowered;
	s4 =	sadd.s32 s4, s6;
	[dreg:$0x0] =	wrdreg $0x0  }
0xa9: {  	s6 =	sshll.u32 s28, $0x1;
	[dreg:$0x2] =	wrdreg s4  }
0xaa: {  	[dreg:$0x3] =	wrdreg s6  }
0xab: {  	[dreg:$0x4] =	wrdreg $0xC0  }
0xac: {  	_ =	task [dreg:s8], $0x5FFFF  }
0xad: {  	[dreg:$0x1] =	wrdreg $0xFFFFFFFF  }
0xae: {  	[dreg:$0x0] =	wrdreg $0x60  }
0xaf: {  	[dreg:$0x2] =	wrdreg s2  }
0xb0: {  	[dreg:$0x3] =	wrdreg s18  }
0xb1: {  	[dreg:$0x4] =	wrdreg s24  }
0xb2: {  	[dreg:$0x5] =	wrdreg $0x2B000  }
0xb3: {  	[dreg:$0x6] =	wrdreg $0x9  }
0xb4: {  	_ =	task.clear_ibuf [dreg:s8], $0x7FFFF;
	_ =	strace $0x90000046  }
0xb5: {  	s29 =	simm.s32 $0x9;
	_ =	strace $0x80000048  }
0xb6: {  	_ =	swait.ge [sflag:s29], $0x1  }
0xb7: {  	[sflag:s29] =	ssyncadd.s32 $0xFFFFFFFF  }
0xb8: {  	_ =	strace $0x90000048  }
0xb9: {  	_ =	sfence  }
0xba: {  	s30 =	sld [smem:$0x0];
	_ =	sdelay $0x2  }
0xbb: {  	s31 =	sshll.u32 s1, $0xD;
	s1 =	sshrl.u32 s1, $0x2  }
0xbc: {  	s3 =	sand.u32 $0x4000, s31;
	s1 =	sadd.s32 s1, s30  }
0xbd: {  	s0 =	sor.u32 s3, s0;
	s1 =	sshll.u32 s1, $0x11  }
0xbe: {  	s0 =	sor.u32 s1, s0  }
0xbf: {  	s0 =	sadd.s32 $0x8F2B, s0  }
0xc0: {  	[sflag:s0] =	ssyncadd.remote.s32 $0x1  }
0xc1: {  	_ =	sfence.sel $0xFFFF  }
0xc2: {  	[dreg:$0x0] =	wrdreg $0xFFFFFFFF;
	(pc) =	sbr.abs _section_cstart, $3  }
0xc3: {  	[dreg:$0x1] =	wrdreg $0xFFFFFFFF  }
0xc4: {  	_ =	task.clear_ibuf [dreg:s8], $0x2FFFF;
	_ =	strace $0x9FFFFFFF  }
0xc5: {  	(tm) =	ssettm $0x7FFFFFFF  }
tec
execute0_lowered:
.L_overlay_start_1:
0x0: {  	(tag) =	ssettag $0x1  }
0x1: {  	s4 =	rddreg [dreg:$0x0]  }
0x2: {  	s5 =	rddreg [dreg:$0x1]  }
0x3: {  	s6 =	rddreg [dreg:$0x2];
	s0 =	srdreg.scid  }
0x4: {  	s2 =	rddreg [dreg:$0x3];
	s1 =	stileid.u32;
	s3 =	simm.s32 $0x0  }
0x5: {  	s12 =	simm.s32 $0x2800;
	s13 =	simm.s32 $0x1;
	s16 =	simm.s32 $0x20  }
0x6: {  	s17 =	simm.s32 $0x10;
	s7 =	sand.u32 $0x1, s0;
	s0 =	rddreg [dreg:$0x4]  }
0x7: {  	s18 =	simm.s32 $0x0;
	s8 =	smul.u32 $0x500, s1;
	[smem:$0x7FF] =	sst s3  }
0x8: {  	s11 =	smul.u32 $0xA00, s1;
	s14 =	sshll.u32 s1, $0x6;
	s9 =	sshll.u32 s7, $0x4  }
0x9: {  	s10 =	sshll.u32 s7, $0x7;
	s7 =	ssub.s32 $0x2, s7;
	_ =	strace $0x80000047  }
0xa: {  	s14 =	sor.u32 $0x1C02, s14;
	s9 =	sor.u32 s1, s9;
	s8 =	sor.u32 s10, s8  }
0xb: {  	s30 =	sshrl.u32 s7, $0x1;
	s31 =	sshrl.u32 s11, $0x2;
	s10 =	simm.s32 $0x2  }
0xc: {  	s11 =	simm.s32 $0x2880;
	s29 =	smul.u32 $0xA00, s9;
	s8 =	sshrl.u32 s8, $0x3  }
0xd: {  	p0 =	seq.s32 s9, $0x1F;
	s7 =	ssub.s32 s7, s30;
	s6 =	sadd.s32 s8, s6  }
0xe: {  	s8 =	simm.s32 $0x80;
	s9 =	sadd.s32 s29, s4;
	s4 =	sadd.s32 s31, s2  }
0xf: {  	s9 =	smov.u32 @p0 s5;
	s5 =	sadd.s32 $0x1600, s6;
	s6 =	smax.u32 s7, $0x1  }
0x10: {  	v0 =	vimm.f32 $1.000000000e+00;
	v1 =	vimm.f32 $0.0e+00;
	s15 =	sshrl.u32 s4, $0x3;
	s7 =	sadd.s32 $0x10, s9;
	s9 =	simm.s32 $0x100  }
.LBB2_1:
0x11: {  	[tilespmem:s3], [sflag:$0x2] =	stream.strided.gather [hbm4b:s7+s8], $0x2800, s9, s8, $0x38;
	[tilespmem:$0x2D80] =	vst v63  }
0x12: {  	_ =	swait.ge [sflag:s10], $0x2800  }
0x13: {  	[sflag:s10] =	ssyncset.done $0x0  }
0x14: {  	[sflag:s10] =	ssyncadd.s32 $0xFFFFD800  }
0x15: {  	[tilespmem:$0x2800] =	vst v0  }
0x16: {  	[tilespmem:$0x2810] =	vst v0  }
0x17: {  	[tilespmem:$0x2820] =	vst v0  }
0x18: {  	[tilespmem:$0x2830] =	vst v0  }
0x19: {  	[tilespmem:$0x2840] =	vst v0  }
0x1a: {  	[tilespmem:$0x2850] =	vst v0  }
0x1b: {  	[tilespmem:$0x2860] =	vst v0  }
0x1c: {  	[tilespmem:$0x2870] =	vst v0  }
0x1d: {  	[tilespmem:$0x2880] =	vst v1  }
0x1e: {  	[tilespmem:$0x2890] =	vst v1  }
0x1f: {  	[tilespmem:$0x28A0] =	vst v1  }
0x20: {  	[tilespmem:$0x28B0] =	vst v1  }
0x21: {  	[tilespmem:$0x28C0] =	vst v1  }
0x22: {  	[tilespmem:$0x28D0] =	vst v1  }
0x23: {  	[tilespmem:$0x28E0] =	vst v1  }
0x24: {  	[tilespmem:$0x28F0] =	vst v1  }
0x25: {  	[tilespmem:$0x2900] =	vst v1  }
0x26: {  	[tilespmem:$0x2910] =	vst v1  }
0x27: {  	[tilespmem:$0x2920] =	vst v1  }
0x28: {  	[tilespmem:$0x2930] =	vst v1  }
0x29: {  	[tilespmem:$0x2940] =	vst v1  }
0x2a: {  	[tilespmem:$0x2950] =	vst v1  }
0x2b: {  	[tilespmem:$0x2960] =	vst v1  }
0x2c: {  	[tilespmem:$0x2970] =	vst v1  }
0x2d: {  	[tilespmem:$0x2980] =	vst v1  }
0x2e: {  	[tilespmem:$0x2990] =	vst v1  }
0x2f: {  	[tilespmem:$0x29A0] =	vst v1  }
0x30: {  	[tilespmem:$0x29B0] =	vst v1  }
0x31: {  	[tilespmem:$0x29C0] =	vst v1  }
0x32: {  	[tilespmem:$0x29D0] =	vst v1  }
0x33: {  	[tilespmem:$0x29E0] =	vst v1  }
0x34: {  	[tilespmem:$0x29F0] =	vst v1  }
0x35: {  	[tilespmem:$0x2A00] =	vst v1  }
0x36: {  	[tilespmem:$0x2A10] =	vst v1  }
0x37: {  	[tilespmem:$0x2A20] =	vst v1  }
0x38: {  	[tilespmem:$0x2A30] =	vst v1  }
0x39: {  	[tilespmem:$0x2A40] =	vst v1  }
0x3a: {  	[tilespmem:$0x2A50] =	vst v1  }
0x3b: {  	[tilespmem:$0x2A60] =	vst v1  }
0x3c: {  	[tilespmem:$0x2A70] =	vst v1  }
0x3d: {  	[tilespmem:$0x2A80] =	vst v1  }
0x3e: {  	[tilespmem:$0x2A90] =	vst v1  }
0x3f: {  	[tilespmem:$0x2AA0] =	vst v1  }
0x40: {  	[tilespmem:$0x2AB0] =	vst v1  }
0x41: {  	[tilespmem:$0x2AC0] =	vst v1  }
0x42: {  	[tilespmem:$0x2AD0] =	vst v1  }
0x43: {  	[tilespmem:$0x2AE0] =	vst v1  }
0x44: {  	[tilespmem:$0x2AF0] =	vst v1  }
0x45: {  	[spmem:s4] =	stream.linear.scatter [tilespmem:s11], [sflag:$0x2], $0x280, $0x38;
	[tilespmem:$0x2D80] =	vst v63  }
0x46: {  	_ =	swait.ge [sflag:s10], $0x280  }
0x47: {  	[sflag:s10] =	ssyncset.done $0x0  }
0x48: {  	[sflag:s10] =	ssyncadd.s32 $0xFFFFFD80  }
0x49: {  	s19 =	simm.s32 $0x200;
	s20 =	simm.s32 $0x0;
	[bflag:$0x0] =	sbarrier.arrive $0xFFFF  }
.LBB2_2:
0x4a: {  	[spmem:s2] =	stream.indirect.scatter.add.f32 [tilespmem:s12], [sflag:$0x1], $0x1, s20, s8, $0xb8;
	[tilespmem:$0x2D80] =	vst v63  }
0x4b: {  	s20 =	smov.u32 s19;
	p0 =	sne.s32 s19, $0x9E00  }
.Ltmp0:
0x4c: {  	s19 =	sadd.s32 $0x200, s19;
	(pc) =	sbr.rel @p0 .LBB2_2-.Ltmp0, $2  }
0x4d: {  	_ =	sdelay $0x2  }
0x4e: {  	s20 =	sshra.s32 s20, $0x2  }
0x4f: {  	[spmem:s2] =	stream.indirect.scatter.add.f32 [tilespmem:s12], [sflag:$0x1], $0x1, s20, s8, $0xb8;
	[tilespmem:$0x2D80] =	vst v63  }
0x50: {  	_ =	swait.ge [sflag:s13], $0x2800  }
0x51: {  	s18 =	sadd.s32 $0x1, s18;
	[sflag:s13] =	ssyncset.done $0x0  }
0x52: {  	p0 =	sne.s32 s18, s6;
	[sflag:s13] =	ssyncadd.s32 $0xFFFFD800  }
.Ltmp1:
0x53: {  	[bflag:$0x0] =	sbarrier.arrive $0xFFFF;
	(pc) =	sbr.rel @p0 .LBB2_1-.Ltmp1, $4  }
0x54: {  	[hbm:s5@s16], [sflag:s14] =	dma.strided [spmem:s15@s17], $0x50, s13, $0x10   }
0x55: {  	_ =	swait.ge [sflag:s10], $0x50  }
0x56: {  	[sflag:s10] =	ssyncset.done $0x0  }
0x57: {  	[sflag:s10] =	ssyncadd.s32 $0xFFFFFFB0  }
0x58: {  	_ =	sfence.sel $0x180000  }
0x59: {  	[bflag:$0x0] =	sbarrier.arrive $0xFFFF  }
0x5a: {  	p0 =	sne.s32 s1, $0x0;
	_ =	strace $0x90000047  }
0x5b: {  	s0 =	sadd.s32 @!p0 $0x100000, s0;
	[bflag:$0x2] =	sbarrier.arrive $0xFFFF  }
0x5c: {  	[sflag:s0] =	ssyncadd.tile.s32 @!p0 $0x1;
	_ =	shalt  }
.Lfunc_end2:
_tile_overlayer_lowered:
.L_overlay_start_2:
0x5d: {  	(tag) =	ssettag $0x2  }
0x5e: {  	s0 =	rddreg [dreg:$0x0];
	s2 =	stileid.u32  }
0x5f: {  	s1 =	rddreg [dreg:$0x1];
	p0 =	sne.s32 s2, $0x0  }
0x60: {  	s3 =	rddreg [dreg:$0x2];
	[bflag:$0x3] =	sbarrier.arrive $0xFFFF;
	s2 =	simm.s32 @!p0 $0x1C02  }
0x61: {  	[timem:s3], [sflag:s2] =	dma.local @!p0 [hbm:s0], s1  }
0x62: {  	s0 =	simm.s32 @!p0 $0x2  }
0x63: {  	_ =	swait.ge @!p0 [sflag:s0], s1  }
0x64: {  	s1 =	ssub.s32 @!p0 $0x0, s1;
	[sflag:s0] =	ssyncset.done @!p0 $0x0  }
0x65: {  	[sflag:s0] =	ssyncadd.s32 @!p0 s1  }
0x66: {  	[bflag:$0x3] =	sbarrier.arrive $0xFFFF  }
0x67: {  	_ =	shalt  }

// kernel: kernel.9.cloned.1.call-start
scs
__scs_entry_jumppad:
0x0: {  	(pc) =	sbr.rel $0x88, $3  }
0x1: {  	(tag) =	ssettag $0x0;
	lr =	simm.s32 $0x1  }
0x2: {  	[smem:$0x3F9D] =	sst lr;
	_ =	strace $0xD0000000  }
0x3: {  	_ = 	snop  }
0x4: {  	_ = 	snop  }
0x5: {  	_ = 	snop  }
0x6: {  	_ = 	snop  }
0x7: {  	_ = 	snop  }
__scs_overlays_trampoline_lowered:
0x8: {  	[smem:$0x3FAC] =	sst s0  }
0x9: {  	[smem:$0x3FAD] =	sst s1  }
0xa: {  	[smem:$0x3FAE] =	sst s2  }
0xb: {  	[smem:$0x3FAF] =	sst s3  }
0xc: {  	[smem:$0x3FB0] =	sst s4  }
0xd: {  	[smem:$0x3FB1] =	sst s5  }
0xe: {  	[smem:$0x3FB2] =	sst s6  }
0xf: {  	[smem:$0x3FB3] =	sst s7  }
0x10: {  	[smem:$0x3FB4] =	sst s8  }
0x11: {  	[smem:$0x3FB5] =	sst s9;
	s0 =	simm.s32 @!p0 $0x0  }
0x12: {  	s1 =	sld [smem:$0x3F9B];
	s0 =	simm.s32 @p0 $0x1  }
0x13: {  	[smem:$0x3FB6] =	sst s0;
	s0 =	simm.s32 @!p1 $0x0  }
0x14: {  	s2 =	sld [smem:$0x3F9A];
	s0 =	simm.s32 @p1 $0x1  }
0x15: {  	[smem:$0x3FB7] =	sst s0;
	s0 =	simm.s32 @!p2 $0x0  }
0x16: {  	s3 =	sld [smem:$0x3FDB];
	s0 =	simm.s32 @p2 $0x1  }
0x17: {  	s4 =	simm.s32 $0x1BF5;
	[smem:$0x3FB9] =	sst s0  }
0x18: {  	s0 =	sld [smem:$0x3F9C];
	_ =	swait.ge [sflag:s4], $0x0  }
0x19: {  	s7 =	sld [smem:$0x3F9D]  }
0x1a: {  	s8 =	sadd.s32 $0xFFFFE003, lr  }
0x1b: {  	s9 =	sadd.s32 $0xFFFFFEF7, lr;
	s5 =	simm.s32 $0xFFFFFFFF;
	p2 =	slt.u32 s8, $0xFFFFF086  }
0x1c: {  	p1 =	slt.u32 s9, $0xF7A;
	s5 =	simm.s32 @!p2 $0x0  }
0x1d: {  	s5 =	simm.s32 @p1 $0x1;
	p0 =	seq.s32 s7, s2  }
0x1e: {  	s7 =	smul.u32 @!p0 $0xF7A, s2;
	p2 =	seq.s32 @!p0 s5, $0x0  }
0x1f: {  	s9 =	smul.u32 $0xF7A, s1;
	s8 =	simm.s32 @!p0 $0x1BF5;
	p2 =	por !p2, p0  }
0x20: {  	[sflag:s8] =	ssyncset.s32 @!p0 $0xFFFFF086;
	s6 =	sadd.s32 @!p0 s3, s7;
	s7 =	simm.s32 @!p0 $0x108  }
0x21: {  	s3 =	sadd.s32 s3, s9;
	s6 =	sadd.s32 @!p0 $0x88, s6;
	s7 =	simm.s32 @p2 $0x1082  }
0x22: {  	[simem:s7], [sflag:s8] =	dma.local @!p0 [hbm:s6], $0xF7A  }
0x23: {  	s9 =	sor.u32 $0xD0000000, s2;
	s6 =	simm.s32 $0x108;
	_ =	swait.ge @!p0 [sflag:s8], $0x0  }
0x24: {  	s3 =	sadd.s32 $0x88, s3;
	s6 =	simm.s32 @!p1 $0x1082;
	[sflag:s4] =	ssyncset.s32 $0xFFFFF086  }
0x25: {  	[simem:s6], [sflag:s4] =	dma.local [hbm:s3], $0xF7A  }
0x26: {  	[smem:$0x3F9D] =	sst s1;
	(tag) =	ssettag s2;
	_ =	strace s9  }
0x27: {  	s1 =	sld [smem:$0x3FAD]  }
0x28: {  	s2 =	sld [smem:$0x3FAE]  }
0x29: {  	s4 =	sld [smem:$0x3FB0]  }
0x2a: {  	p0 =	seq.s32 s5, $0x0;
	s5 =	sld [smem:$0x3FB1]  }
0x2b: {  	s6 =	sld [smem:$0x3FB2]  }
0x2c: {  	s7 =	sld [smem:$0x3FB3]  }
0x2d: {  	s3 =	simm.s32 $0x108;
	s8 =	sld [smem:$0x3FB4]  }
0x2e: {  	s3 =	simm.s32 @!p0 $0x1082;
	s9 =	sld [smem:$0x3FB5]  }
0x2f: {  	lr =	sadd.s32 s0, s3;
	s0 =	sld [smem:$0x3FAC]  }
0x30: {  	s3 =	sld [smem:$0x3FAF]  }
0x31: {  	[smem:$0x3FB8] =	sst s10  }
0x32: {  	s10 =	sld [smem:$0x3FB6];
	_ =	sdelay $0x3  }
0x33: {  	p0 =	seq.s32 s10, $0x1;
	s10 =	sld [smem:$0x3FB8];
	_ =	sdelay $0x3  }
0x34: {  	[smem:$0x3FB8] =	sst s10  }
0x35: {  	s10 =	sld [smem:$0x3FB7];
	_ =	sdelay $0x3  }
0x36: {  	p1 =	seq.s32 s10, $0x1;
	s10 =	sld [smem:$0x3FB8];
	_ =	sdelay $0x3  }
0x37: {  	[smem:$0x3FB8] =	sst s10  }
0x38: {  	s10 =	sld [smem:$0x3FB9]  }
0x39: {  	_ = 	snop;
	(pc) =	sbr.ind lr, $3  }
0x3a: {  	_ = 	snop  }
0x3b: {  	_ = 	snop  }
0x3c: {  	p2 =	seq.s32 s10, $0x1;
	s10 =	sld [smem:$0x3FB8]  }
0x3d: {  	_ =	shalt  }
0x3e: {  	_ =	shalt  }
0x3f: {  	_ =	shalt  }
0x40: {  	_ =	shalt  }
0x41: {  	_ =	shalt  }
0x42: {  	_ =	shalt  }
0x43: {  	_ =	shalt  }
0x44: {  	_ =	shalt  }
0x45: {  	_ =	shalt  }
0x46: {  	_ =	shalt  }
0x47: {  	_ =	shalt  }
0x48: {  	_ =	shalt  }
0x49: {  	_ =	shalt  }
0x4a: {  	_ =	shalt  }
0x4b: {  	_ =	shalt  }
0x4c: {  	_ =	shalt  }
0x4d: {  	_ =	shalt  }
0x4e: {  	_ =	shalt  }
0x4f: {  	_ =	shalt  }
0x50: {  	_ =	shalt  }
0x51: {  	_ =	shalt  }
0x52: {  	_ =	shalt  }
0x53: {  	_ =	shalt  }
0x54: {  	_ =	shalt  }
0x55: {  	_ =	shalt  }
0x56: {  	_ =	shalt  }
0x57: {  	_ =	shalt  }
0x58: {  	_ =	shalt  }
0x59: {  	_ =	shalt  }
0x5a: {  	_ =	shalt  }
0x5b: {  	_ =	shalt  }
0x5c: {  	_ =	shalt  }
0x5d: {  	_ =	shalt  }
0x5e: {  	_ =	shalt  }
0x5f: {  	_ =	shalt  }
0x60: {  	_ =	shalt  }
0x61: {  	_ =	shalt  }
0x62: {  	_ =	shalt  }
0x63: {  	_ =	shalt  }
0x64: {  	_ =	shalt  }
0x65: {  	_ =	shalt  }
0x66: {  	_ =	shalt  }
0x67: {  	_ =	shalt  }
0x68: {  	_ =	shalt  }
0x69: {  	_ =	shalt  }
0x6a: {  	_ =	shalt  }
0x6b: {  	_ =	shalt  }
0x6c: {  	_ =	shalt  }
0x6d: {  	_ =	shalt  }
0x6e: {  	_ =	shalt  }
0x6f: {  	_ =	shalt  }
0x70: {  	_ =	shalt  }
0x71: {  	_ =	shalt  }
0x72: {  	_ =	shalt  }
0x73: {  	_ =	shalt  }
0x74: {  	_ =	shalt  }
0x75: {  	_ =	shalt  }
0x76: {  	_ =	shalt  }
0x77: {  	_ =	shalt  }
0x78: {  	_ =	shalt  }
0x79: {  	_ =	shalt  }
0x7a: {  	_ =	shalt  }
0x7b: {  	_ =	shalt  }
0x7c: {  	_ =	shalt  }
0x7d: {  	_ =	shalt  }
0x7e: {  	_ =	shalt  }
0x7f: {  	_ =	shalt  }
0x80: {  	_ =	shalt  }
0x81: {  	_ =	shalt  }
0x82: {  	_ =	shalt  }
0x83: {  	_ =	shalt  }
0x84: {  	_ =	shalt  }
0x85: {  	_ =	shalt  }
0x86: {  	_ =	shalt  }
0x87: {  	_ =	shalt  }
.Lfunc_end0:
.L_simem_size_0:
called_computation.1_lowered:
.L_overlay_start_0:
0x88: {  	s2 =	sld [smem:$0x3FD9]  }
0x89: {  	s3 =	sld [smem:$0x3FFE];
	_ =	sdelay $0x1  }
0x8a: {  	s1 =	srdreg.scid  }
0x8b: {  	s0 =	sand.u32 $0x1, s1  }
0x8c: {  	s17 =	sshll.u32 s0, $0xA;
	s2 =	sadd.s32 s3, s2  }
0x8d: {  	s2 =	sadd.s32 s2, s17  }
0x8e: {  	[smem:$0x3FC4] =	sst s2  }
0x8f: {  	_ = 	snop  }
0x90: {  	s2 =	sld [smem:$0x3FC8]  }
0x91: {  	s18 =	sld [smem:$0x3FD0];
	(tm) =	ssettm $0x1  }
0x92: {  	s4 =	sld [smem:$0x3FFB];
	_ =	sdelay $0x3  }
0x93: {  	_ =	strace s4  }
0x94: {  	s4 =	sld [smem:$0x3FFC];
	_ =	sdelay $0x3  }
0x95: {  	_ =	strace s4  }
0x96: {  	s4 =	sld [smem:$0x3FFD];
	_ =	sdelay $0x3  }
0x97: {  	_ =	strace s4  }
0x98: {  	_ =	strace $0x8FFFFFFF  }
0x99: {  	s19 =	sld [smem:$0x3FDB];
	_ =	sdelay $0x1  }
0x9a: {  	s5 =	simm.s32 $_scs_section_size  }
0x9b: {  	s6 =	simm.s32 $_size__tile_overlayer_lowered;
	s7 =	simm.s32 $_tile_overlayer_lowered  }
0x9c: {  	s22 =	simm.s32 $0x1BFF;
	s21 =	sshll.u32 s7, $0x1;
	s4 =	sadd.s32 s5, s19  }
0x9d: {  	s8 =	simm.s32 $0x0;
	s20 =	sshll.u32 s6, $0x1;
	s6 =	sadd.s32 s21, s4  }
0x9e: {  	[timem:s8], [sflag:s22] =	dma.local [hbm:s6], s20  }
0x9f: {  	_ =	swait.ge [sflag:s22], s20  }
0xa0: {  	s5 =	ssub.s32 $0x0, s20;
	[sflag:s22] =	ssyncset.done $0x0  }
0xa1: {  	[sflag:s22] =	ssyncadd.s32 s5;
	_ =	sdelay $0x1  }
0xa2: {  	s23 =	simm.s32 $0x1B8B  }
0xa3: {  	_ =	swait.ge [sflag:s23], $0x1  }
0xa4: {  	[sflag:s23] =	ssyncset.done $0x0  }
0xa5: {  	s25 =	simm.s32 $0x1B8E;
	s24 =	sld [smem:$0x3FFE];
	[sflag:s23] =	ssyncadd.s32 $0xFFFFFFFF  }
0xa6: {  	s26 =	simm.s32 $execute0_lowered;
	[smem:$0x3FD2] =	sst s25  }
0xa7: {  	s6 =	sshll.u32 s26, $0x1;
	_ =	strace $0x80000049;
	[dreg:$0x1] =	wrdreg $0xFFFFFFFF  }
0xa8: {  	s28 =	simm.s32 $_size_execute0_lowered;
	s4 =	sadd.s32 s4, s6;
	[dreg:$0x0] =	wrdreg $0x0  }
0xa9: {  	s6 =	sshll.u32 s28, $0x1;
	[dreg:$0x2] =	wrdreg s4  }
0xaa: {  	[dreg:$0x3] =	wrdreg s6  }
0xab: {  	[dreg:$0x4] =	wrdreg $0xC0  }
0xac: {  	_ =	task [dreg:s8], $0x5FFFF  }
0xad: {  	[dreg:$0x1] =	wrdreg $0xFFFFFFFF  }
0xae: {  	[dreg:$0x0] =	wrdreg $0x60  }
0xaf: {  	[dreg:$0x2] =	wrdreg s24  }
0xb0: {  	[dreg:$0x3] =	wrdreg s2  }
0xb1: {  	[dreg:$0x4] =	wrdreg s18  }
0xb2: {  	[dreg:$0x5] =	wrdreg $0xA8000  }
0xb3: {  	[dreg:$0x6] =	wrdreg $0x9  }
0xb4: {  	_ =	task.clear_ibuf [dreg:s8], $0x7FFFF;
	_ =	strace $0x90000049  }
0xb5: {  	s29 =	simm.s32 $0x9;
	_ =	strace $0x8000004B  }
0xb6: {  	_ =	swait.ge [sflag:s29], $0x1  }
0xb7: {  	[sflag:s29] =	ssyncadd.s32 $0xFFFFFFFF  }
0xb8: {  	_ =	strace $0x9000004B  }
0xb9: {  	_ =	sfence  }
0xba: {  	s30 =	sld [smem:$0x0];
	_ =	sdelay $0x2  }
0xbb: {  	s31 =	sshll.u32 s1, $0xD;
	s1 =	sshrl.u32 s1, $0x2  }
0xbc: {  	s3 =	sand.u32 $0x4000, s31;
	s1 =	sadd.s32 s1, s30  }
0xbd: {  	s0 =	sor.u32 s3, s0;
	s1 =	sshll.u32 s1, $0x11  }
0xbe: {  	s0 =	sor.u32 s1, s0  }
0xbf: {  	s0 =	sadd.s32 $0x8F2B, s0  }
0xc0: {  	[sflag:s0] =	ssyncadd.remote.s32 $0x1  }
0xc1: {  	_ =	sfence.sel $0xFFFF  }
0xc2: {  	[dreg:$0x0] =	wrdreg $0xFFFFFFFF;
	(pc) =	sbr.abs _section_cstart, $3  }
0xc3: {  	[dreg:$0x1] =	wrdreg $0xFFFFFFFF  }
0xc4: {  	_ =	task.clear_ibuf [dreg:s8], $0x2FFFF;
	_ =	strace $0x9FFFFFFF  }
0xc5: {  	(tm) =	ssettm $0x7FFFFFFF  }
tec
execute0_lowered:
.L_overlay_start_1:
0x0: {  	(tag) =	ssettag $0x1  }
0x1: {  	s0 =	rddreg [dreg:$0x0]  }
0x2: {  	s1 =	rddreg [dreg:$0x1]  }
0x3: {  	s20 =	rddreg [dreg:$0x2]  }
0x4: {  	s2 =	rddreg [dreg:$0x3]  }
0x5: {  	s4 =	simm.s32 $0x0;
	s3 =	srdreg.scid;
	s9 =	stileid.u32  }
0x6: {  	s28 =	simm.s32 $0x1;
	s29 =	simm.s32 $0x2;
	s30 =	simm.s32 $0x2600  }
0x7: {  	s31 =	simm.s32 $0x1300;
	[smem:$0x7FF] =	sst s4;
	s7 =	smul.u32 $0x50000, s9  }
0x8: {  	s3 =	sand.u32 $0x1, s3;
	s5 =	sadd.s32 $0x1600, s0;
	s11 =	smul.u32 $0x14000, s9  }
0x9: {  	s0 =	sadd.s32 $0x29600, s0;
	s23 =	sadd.s32 $0x10, s20;
	s6 =	ssub.s32 $0x2, s3  }
0xa: {  	_ =	strace $0x8000004A;
	s8 =	sshrl.u32 s6, $0x1;
	s10 =	sshrl.u32 s7, $0x2  }
0xb: {  	s16 =	sadd.s32 $0x4000, s11;
	s17 =	sadd.s32 $0x8000, s11;
	s18 =	sadd.s32 $0xC000, s11  }
0xc: {  	s19 =	sadd.s32 $0x10000, s11;
	s15 =	ssub.s32 s6, s8;
	s8 =	sshll.u32 s3, $0x4  }
0xd: {  	s6 =	sadd.s32 s10, s2;
	s3 =	smul.u32 $0x140000, s3;
	s12 =	sor.u32 s9, s8  }
0xe: {  	s7 =	sadd.s32 s16, s2;
	s10 =	sadd.s32 s19, s2;
	s13 =	smul.u32 $0x5000, s12  }
0xf: {  	s8 =	sadd.s32 s17, s2;
	s9 =	sadd.s32 s18, s2;
	s14 =	smul.u32 $0xA00, s12  }
0x10: {  	p0 =	seq.s32 s12, $0x1F;
	s21 =	sadd.s32 s11, s3;
	s22 =	sadd.s32 s3, s16  }
0x11: {  	s25 =	sadd.s32 s3, s17;
	s26 =	sadd.s32 s3, s18;
	s3 =	sadd.s32 s3, s19  }
0x12: {  	s16 =	sadd.s32 $0x500, s20;
	s11 =	sshrl.u32 s22, $0x3;
	s3 =	sshrl.u32 s3, $0x3  }
0x13: {  	s22 =	simm.s32 $0x3;
	s13 =	sshrl.u32 s13, $0x3;
	s14 =	sadd.s32 s1, s14  }
0x14: {  	s24 =	sadd.s32 s0, s11;
	s11 =	sshrl.u32 s26, $0x3;
	s19 =	sadd.s32 s0, s3  }
0x15: {  	s26 =	simm.s32 $0x6800;
	s3 =	simm.s32 $0x2700;
	[dreg:$0x5] =	wrdreg s14  }
0x16: {  	s1 =	sadd.s32 s1, s13;
	s12 =	sadd.s32 $0x10, s14;
	[dreg:$0x7] =	wrdreg s24  }
0x17: {  	s18 =	sadd.s32 s0, s11;
	s24 =	simm.s32 $0x100;
	s13 =	sadd.s32 $0x500, s1  }
0x18: {  	s14 =	sadd.s32 $0x510, s1;
	s1 =	sshrl.u32 s21, $0x3;
	s21 =	sadd.s32 $0x510, s20  }
0x19: {  	s20 =	smax.u32 s15, $0x1;
	s12 =	smov.u32 @p0 s23;
	s23 =	simm.s32 $0x80  }
0x1a: {  	s15 =	simm.s32 $0x2780;
	s1 =	sadd.s32 s0, s1;
	s13 =	smov.u32 @p0 s16  }
0x1b: {  	s14 =	smov.u32 @p0 s21;
	[dreg:$0x6] =	wrdreg s1;
	s1 =	sshrl.u32 s25, $0x3  }
0x1c: {  	s21 =	simm.s32 $0x2800;
	s25 =	simm.s32 $0x1400;
	s1 =	sadd.s32 s0, s1  }
0x1d: {  	v0 =	vimm.f32 $0.0e+00;
	s0 =	simm.s32 $0x2680;
	[dreg:$0x8] =	wrdreg s1;
	s1 =	simm.s32 $0x1380  }
.LBB2_1:
0x1e: {  	s16 =	simm.s32 $0x0;
	s11 =	simm.s32 $0x200  }
.LBB2_2:
0x1f: {  	p1 =	sne.s32 s11, $0xFE00;
	[tilespmem:s16+$0x2870] =	vst v0  }
0x20: {  	[tilespmem:s16+$0x2800] =	vst v0  }
0x21: {  	[tilespmem:s16+$0x2810] =	vst v0  }
.Ltmp0:
0x22: {  	[tilespmem:s16+$0x2820] =	vst v0;
	(pc) =	sbr.rel @p1 .LBB2_2-.Ltmp0, $4  }
0x23: {  	[tilespmem:s16+$0x2830] =	vst v0  }
0x24: {  	[tilespmem:s16+$0x2840] =	vst v0  }
0x25: {  	[tilespmem:s16+$0x2850] =	vst v0  }
0x26: {  	[tilespmem:s16+$0x2860] =	vst v0;
	s16 =	sshra.s32 s11, $0x2;
	s11 =	sadd.s32 $0x200, s11  }
0x27: {  	[tilespmem:s16+$0x2870] =	vst v0  }
0x28: {  	[tilespmem:s16+$0x2800] =	vst v0  }
0x29: {  	[tilespmem:s16+$0x2810] =	vst v0  }
0x2a: {  	[tilespmem:s16+$0x2820] =	vst v0  }
0x2b: {  	[tilespmem:s16+$0x2830] =	vst v0  }
0x2c: {  	[tilespmem:s16+$0x2840] =	vst v0  }
0x2d: {  	[tilespmem:s16+$0x2850] =	vst v0  }
0x2e: {  	[tilespmem:s16+$0x2860] =	vst v0  }
0x2f: {  	[spmem:s6] =	stream.linear.scatter [tilespmem:s21], [sflag:$0x3], $0x4000, $0x38;
	[tilespmem:$0x1E800] =	vst v63  }
0x30: {  	_ =	swait.ge [sflag:s22], $0x4000  }
0x31: {  	[sflag:s22] =	ssyncset.done $0x0  }
0x32: {  	[sflag:s22] =	ssyncadd.s32 $0xFFFFC000  }
0x33: {  	[spmem:s7] =	stream.linear.scatter [tilespmem:s21], [sflag:$0x3], $0x4000, $0x38;
	[tilespmem:$0x1E800] =	vst v63  }
0x34: {  	_ =	swait.ge [sflag:s22], $0x4000  }
0x35: {  	[sflag:s22] =	ssyncset.done $0x0  }
0x36: {  	[sflag:s22] =	ssyncadd.s32 $0xFFFFC000  }
0x37: {  	[spmem:s8] =	stream.linear.scatter [tilespmem:s21], [sflag:$0x3], $0x4000, $0x38;
	[tilespmem:$0x1E800] =	vst v63  }
0x38: {  	_ =	swait.ge [sflag:s22], $0x4000  }
0x39: {  	[sflag:s22] =	ssyncset.done $0x0  }
0x3a: {  	[sflag:s22] =	ssyncadd.s32 $0xFFFFC000  }
0x3b: {  	[spmem:s9] =	stream.linear.scatter [tilespmem:s21], [sflag:$0x3], $0x4000, $0x38;
	[tilespmem:$0x1E800] =	vst v63  }
0x3c: {  	_ =	swait.ge [sflag:s22], $0x4000  }
0x3d: {  	[sflag:s22] =	ssyncset.done $0x0  }
0x3e: {  	[sflag:s22] =	ssyncadd.s32 $0xFFFFC000  }
0x3f: {  	[spmem:s10] =	stream.linear.scatter [tilespmem:s21], [sflag:$0x3], $0x4000, $0x38;
	[tilespmem:$0x1E800] =	vst v63  }
0x40: {  	_ =	swait.ge [sflag:s22], $0x4000  }
0x41: {  	[sflag:s22] =	ssyncset.done $0x0  }
0x42: {  	[sflag:s22] =	ssyncadd.s32 $0xFFFFC000  }
0x43: {  	s11 =	rddreg [dreg:$0x5];
	[bflag:$0x0] =	sbarrier.arrive $0xFFFF  }
0x44: {  	s16 =	rddreg [dreg:$0x2]  }
0x45: {  	s17 =	simm.s32 $0x0;
	s11 =	smov.u32 @p0 s16  }
0x46: {  	[tilespmem:s17], [sflag:$0x3] =	stream.strided.gather [hbm4b:s11+s23], $0x1400, s24, s23, $0x38;
	[tilespmem:$0x1E800] =	vst v63  }
0x47: {  	_ =	swait.ge [sflag:s22], $0x1400  }
0x48: {  	[sflag:s22] =	ssyncset.done $0x0  }
0x49: {  	[sflag:s22] =	ssyncadd.s32 $0xFFFFEC00  }
0x4a: {  	[tilespmem:s25], [sflag:$0x3] =	stream.strided.gather [hbm4b:s12+s23], $0x1400, s24, s23, $0x38;
	[tilespmem:$0x1E800] =	vst v63  }
0x4b: {  	_ =	swait.ge [sflag:s22], $0x1400  }
0x4c: {  	[sflag:s22] =	ssyncset.done $0x0  }
0x4d: {  	[sflag:s22] =	ssyncadd.s32 $0xFFFFEC00  }
0x4e: {  	[tilespmem:s21], [sflag:$0x1] =	stream.indirect.gather [hbm4b:s5+s23], $0x80, s17, s23, $0xb8;
	[tilespmem:$0x1E800] =	vst v63  }
0x4f: {  	_ = 	snop  }
0x50: {  	[tilespmem:s26], [sflag:$0x2] =	stream.indirect.gather [hbm4b:s5+s23], $0x80, s23, s23, $0xb8;
	[tilespmem:$0x1E800] =	vst v63  }
0x51: {  	_ =	swait.ge [sflag:s28], $0x4000  }
0x52: {  	[sflag:s28] =	ssyncset.done $0x0  }
0x53: {  	s17 =	simm.s32 $0x1400;
	[sflag:s28] =	ssyncadd.s32 $0xFFFFC000  }
0x54: {  	[spmem:s2] =	stream.indirect.scatter.add.f32 [tilespmem:s21], [sflag:$0x3], $0x80, s17, s23, $0xb8;
	[tilespmem:$0x1E800] =	vst v63  }
0x55: {  	_ =	swait.ge [sflag:s22], $0x4000  }
0x56: {  	[sflag:s22] =	ssyncset.done $0x0  }
0x57: {  	s16 =	simm.s32 $0x100;
	[sflag:s22] =	ssyncadd.s32 $0xFFFFC000  }
0x58: {  	[tilespmem:s21], [sflag:$0x1] =	stream.indirect.gather [hbm4b:s5+s23], $0x80, s16, s23, $0xb8;
	[tilespmem:$0x1E800] =	vst v63  }
0x59: {  	_ =	swait.ge [sflag:s29], $0x4000  }
0x5a: {  	[sflag:s29] =	ssyncset.done $0x0  }
0x5b: {  	s17 =	simm.s32 $0x1480;
	[sflag:s29] =	ssyncadd.s32 $0xFFFFC000  }
0x5c: {  	[spmem:s2] =	stream.indirect.scatter.add.f32 [tilespmem:s26], [sflag:$0x3], $0x80, s17, s23, $0xb8;
	[tilespmem:$0x1E800] =	vst v63  }
0x5d: {  	_ =	swait.ge [sflag:s22], $0x4000  }
0x5e: {  	[sflag:s22] =	ssyncset.done $0x0  }
0x5f: {  	s11 =	simm.s32 $0x180;
	s16 =	simm.s32 $0x400;
	[sflag:s22] =	ssyncadd.s32 $0xFFFFC000  }
.LBB2_4:
0x60: {  	[tilespmem:s26], [sflag:$0x2] =	stream.indirect.gather [hbm4b:s5+s23], $0x80, s11, s23, $0xb8;
	[tilespmem:$0x1E800] =	vst v63  }
0x61: {  	s11 =	smov.u32 s16  }
0x62: {  	p1 =	sne.s32 s16, $0x4400;
	s16 =	sadd.s32 $0x400, s16;
	_ =	swait.ge [sflag:s28], $0x4000  }
0x63: {  	s11 =	sshra.s32 s11, $0x2;
	[sflag:s28] =	ssyncset.done $0x0  }
0x64: {  	s17 =	sadd.s32 $0x1400, s11;
	[sflag:s28] =	ssyncadd.s32 $0xFFFFC000  }
0x65: {  	[spmem:s2] =	stream.indirect.scatter.add.f32 [tilespmem:s21], [sflag:$0x3], $0x80, s17, s23, $0xb8;
	[tilespmem:$0x1E800] =	vst v63  }
0x66: {  	_ =	swait.ge [sflag:s22], $0x4000  }
0x67: {  	[sflag:s22] =	ssyncset.done $0x0  }
0x68: {  	s17 =	sadd.s32 $0x100, s11;
	[sflag:s22] =	ssyncadd.s32 $0xFFFFC000  }
0x69: {  	[tilespmem:s21], [sflag:$0x1] =	stream.indirect.gather [hbm4b:s5+s23], $0x80, s17, s23, $0xb8;
	[tilespmem:$0x1E800] =	vst v63  }
0x6a: {  	_ =	swait.ge [sflag:s29], $0x4000  }
0x6b: {  	[sflag:s29] =	ssyncset.done $0x0  }
.Ltmp1:
0x6c: {  	s17 =	sadd.s32 $0x1480, s11;
	[sflag:s29] =	ssyncadd.s32 $0xFFFFC000;
	(pc) =	sbr.rel @p1 .LBB2_4-.Ltmp1, $4  }
0x6d: {  	[spmem:s2] =	stream.indirect.scatter.add.f32 [tilespmem:s26], [sflag:$0x3], $0x80, s17, s23, $0xb8;
	[tilespmem:$0x1E800] =	vst v63  }
0x6e: {  	_ =	swait.ge [sflag:s22], $0x4000  }
0x6f: {  	[sflag:s22] =	ssyncset.done $0x0  }
0x70: {  	s11 =	sadd.s32 $0x180, s11;
	[sflag:s22] =	ssyncadd.s32 $0xFFFFC000  }
0x71: {  	[tilespmem:s26], [sflag:$0x2] =	stream.indirect.gather [hbm4b:s5+s23], $0x80, s11, s23, $0xb8;
	[tilespmem:$0x1E800] =	vst v63  }
0x72: {  	_ =	swait.ge [sflag:s28], $0x4000  }
0x73: {  	[sflag:s28] =	ssyncset.done $0x0  }
0x74: {  	[sflag:s28] =	ssyncadd.s32 $0xFFFFC000  }
0x75: {  	[spmem:s2] =	stream.indirect.scatter.add.f32 [tilespmem:s21], [sflag:$0x3], $0x80, s30, s23, $0xb8;
	[tilespmem:$0x1E800] =	vst v63  }
0x76: {  	_ =	swait.ge [sflag:s22], $0x4000  }
0x77: {  	[sflag:s22] =	ssyncset.done $0x0  }
0x78: {  	[sflag:s22] =	ssyncadd.s32 $0xFFFFC000  }
0x79: {  	[tilespmem:s21], [sflag:$0x1] =	stream.indirect.gather [hbm4b:s5+s23], $0x80, s31, s23, $0xb8;
	[tilespmem:$0x1E800] =	vst v63  }
0x7a: {  	_ =	swait.ge [sflag:s29], $0x4000  }
0x7b: {  	[sflag:s29] =	ssyncset.done $0x0  }
0x7c: {  	[sflag:s29] =	ssyncadd.s32 $0xFFFFC000  }
0x7d: {  	[spmem:s2] =	stream.indirect.scatter.add.f32 [tilespmem:s26], [sflag:$0x3], $0x80, s0, s23, $0xb8;
	[tilespmem:$0x1E800] =	vst v63  }
0x7e: {  	_ =	swait.ge [sflag:s22], $0x4000  }
0x7f: {  	[sflag:s22] =	ssyncset.done $0x0  }
0x80: {  	[sflag:s22] =	ssyncadd.s32 $0xFFFFC000  }
0x81: {  	[tilespmem:s26], [sflag:$0x2] =	stream.indirect.gather [hbm4b:s5+s23], $0x80, s1, s23, $0xb8;
	[tilespmem:$0x1E800] =	vst v63  }
0x82: {  	_ =	swait.ge [sflag:s28], $0x4000  }
0x83: {  	[sflag:s28] =	ssyncset.done $0x0  }
0x84: {  	[sflag:s28] =	ssyncadd.s32 $0xFFFFC000  }
0x85: {  	[spmem:s2] =	stream.indirect.scatter.add.f32 [tilespmem:s21], [sflag:$0x3], $0x80, s3, s23, $0xb8;
	[tilespmem:$0x1E800] =	vst v63  }
0x86: {  	_ =	swait.ge [sflag:s22], $0x4000  }
0x87: {  	[sflag:s22] =	ssyncset.done $0x0  }
0x88: {  	[sflag:s22] =	ssyncadd.s32 $0xFFFFC000  }
0x89: {  	[tilespmem:s21], [sflag:$0x1] =	stream.indirect.gather [hbm4b:s5+s23], $0x80, s1, s23, $0xb8;
	[tilespmem:$0x1E800] =	vst v63  }
0x8a: {  	_ =	swait.ge [sflag:s29], $0x4000  }
0x8b: {  	[sflag:s29] =	ssyncset.done $0x0  }
0x8c: {  	[sflag:s29] =	ssyncadd.s32 $0xFFFFC000  }
0x8d: {  	[spmem:s2] =	stream.indirect.scatter.add.f32 [tilespmem:s26], [sflag:$0x3], $0x80, s15, s23, $0xb8;
	[tilespmem:$0x1E800] =	vst v63  }
0x8e: {  	_ =	swait.ge [sflag:s22], $0x4000  }
0x8f: {  	[sflag:s22] =	ssyncset.done $0x0  }
0x90: {  	[sflag:s22] =	ssyncadd.s32 $0xFFFFC000  }
0x91: {  	[tilespmem:s26], [sflag:$0x2] =	stream.indirect.gather [hbm4b:s5+s23], $0x80, s1, s23, $0xb8;
	[tilespmem:$0x1E800] =	vst v63  }
0x92: {  	_ =	swait.ge [sflag:s28], $0x4000  }
0x93: {  	[sflag:s28] =	ssyncset.done $0x0  }
0x94: {  	[sflag:s28] =	ssyncadd.s32 $0xFFFFC000  }
0x95: {  	_ =	swait.ge [sflag:s29], $0x4000  }
0x96: {  	[sflag:s29] =	ssyncset.done $0x0  }
0x97: {  	s16 =	simm.s32 $0x0;
	[sflag:s29] =	ssyncadd.s32 $0xFFFFC000  }
0x98: {  	[tilespmem:s16], [sflag:$0x3] =	stream.strided.gather [hbm4b:s13+s23], $0x1400, s24, s23, $0x38;
	[tilespmem:$0x1E800] =	vst v63  }
0x99: {  	_ =	swait.ge [sflag:s22], $0x1400  }
0x9a: {  	[sflag:s22] =	ssyncset.done $0x0  }
0x9b: {  	[sflag:s22] =	ssyncadd.s32 $0xFFFFEC00  }
0x9c: {  	[tilespmem:s25], [sflag:$0x3] =	stream.strided.gather [hbm4b:s14+s23], $0x1400, s24, s23, $0x38;
	[tilespmem:$0x1E800] =	vst v63  }
0x9d: {  	_ =	swait.ge [sflag:s22], $0x1400  }
0x9e: {  	[sflag:s22] =	ssyncset.done $0x0  }
0x9f: {  	[sflag:s22] =	ssyncadd.s32 $0xFFFFEC00  }
0xa0: {  	[tilespmem:s21], [sflag:$0x1] =	stream.indirect.gather [hbm4b:s5+s23], $0x80, s16, s23, $0xb8;
	[tilespmem:$0x1E800] =	vst v63  }
0xa1: {  	_ = 	snop  }
0xa2: {  	[tilespmem:s26], [sflag:$0x2] =	stream.indirect.gather [hbm4b:s5+s23], $0x80, s23, s23, $0xb8;
	[tilespmem:$0x1E800] =	vst v63  }
0xa3: {  	_ =	swait.ge [sflag:s28], $0x4000  }
0xa4: {  	[sflag:s28] =	ssyncset.done $0x0  }
0xa5: {  	s17 =	simm.s32 $0x1400;
	[sflag:s28] =	ssyncadd.s32 $0xFFFFC000  }
0xa6: {  	[spmem:s2] =	stream.indirect.scatter.add.f32 [tilespmem:s21], [sflag:$0x3], $0x80, s17, s23, $0xb8;
	[tilespmem:$0x1E800] =	vst v63  }
0xa7: {  	_ =	swait.ge [sflag:s22], $0x4000  }
0xa8: {  	[sflag:s22] =	ssyncset.done $0x0  }
0xa9: {  	s16 =	simm.s32 $0x100;
	[sflag:s22] =	ssyncadd.s32 $0xFFFFC000  }
0xaa: {  	[tilespmem:s21], [sflag:$0x1] =	stream.indirect.gather [hbm4b:s5+s23], $0x80, s16, s23, $0xb8;
	[tilespmem:$0x1E800] =	vst v63  }
0xab: {  	_ =	swait.ge [sflag:s29], $0x4000  }
0xac: {  	[sflag:s29] =	ssyncset.done $0x0  }
0xad: {  	s17 =	simm.s32 $0x1480;
	[sflag:s29] =	ssyncadd.s32 $0xFFFFC000  }
0xae: {  	[spmem:s2] =	stream.indirect.scatter.add.f32 [tilespmem:s26], [sflag:$0x3], $0x80, s17, s23, $0xb8;
	[tilespmem:$0x1E800] =	vst v63  }
0xaf: {  	_ =	swait.ge [sflag:s22], $0x4000  }
0xb0: {  	[sflag:s22] =	ssyncset.done $0x0  }
0xb1: {  	s11 =	simm.s32 $0x180;
	s16 =	simm.s32 $0x400;
	[sflag:s22] =	ssyncadd.s32 $0xFFFFC000  }
.LBB2_6:
0xb2: {  	[tilespmem:s26], [sflag:$0x2] =	stream.indirect.gather [hbm4b:s5+s23], $0x80, s11, s23, $0xb8;
	[tilespmem:$0x1E800] =	vst v63  }
0xb3: {  	s11 =	smov.u32 s16  }
0xb4: {  	p1 =	sne.s32 s16, $0x4400;
	s16 =	sadd.s32 $0x400, s16;
	_ =	swait.ge [sflag:s28], $0x4000  }
0xb5: {  	s11 =	sshra.s32 s11, $0x2;
	[sflag:s28] =	ssyncset.done $0x0  }
0xb6: {  	s17 =	sadd.s32 $0x1400, s11;
	[sflag:s28] =	ssyncadd.s32 $0xFFFFC000  }
0xb7: {  	[spmem:s2] =	stream.indirect.scatter.add.f32 [tilespmem:s21], [sflag:$0x3], $0x80, s17, s23, $0xb8;
	[tilespmem:$0x1E800] =	vst v63  }
0xb8: {  	_ =	swait.ge [sflag:s22], $0x4000  }
0xb9: {  	[sflag:s22] =	ssyncset.done $0x0  }
0xba: {  	s17 =	sadd.s32 $0x100, s11;
	[sflag:s22] =	ssyncadd.s32 $0xFFFFC000  }
0xbb: {  	[tilespmem:s21], [sflag:$0x1] =	stream.indirect.gather [hbm4b:s5+s23], $0x80, s17, s23, $0xb8;
	[tilespmem:$0x1E800] =	vst v63  }
0xbc: {  	_ =	swait.ge [sflag:s29], $0x4000  }
0xbd: {  	[sflag:s29] =	ssyncset.done $0x0  }
.Ltmp2:
0xbe: {  	s17 =	sadd.s32 $0x1480, s11;
	[sflag:s29] =	ssyncadd.s32 $0xFFFFC000;
	(pc) =	sbr.rel @p1 .LBB2_6-.Ltmp2, $4  }
0xbf: {  	[spmem:s2] =	stream.indirect.scatter.add.f32 [tilespmem:s26], [sflag:$0x3], $0x80, s17, s23, $0xb8;
	[tilespmem:$0x1E800] =	vst v63  }
0xc0: {  	_ =	swait.ge [sflag:s22], $0x4000  }
0xc1: {  	[sflag:s22] =	ssyncset.done $0x0  }
0xc2: {  	s11 =	sadd.s32 $0x180, s11;
	[sflag:s22] =	ssyncadd.s32 $0xFFFFC000  }
0xc3: {  	[tilespmem:s26], [sflag:$0x2] =	stream.indirect.gather [hbm4b:s5+s23], $0x80, s11, s23, $0xb8;
	[tilespmem:$0x1E800] =	vst v63  }
0xc4: {  	_ =	swait.ge [sflag:s28], $0x4000  }
0xc5: {  	[sflag:s28] =	ssyncset.done $0x0  }
0xc6: {  	[sflag:s28] =	ssyncadd.s32 $0xFFFFC000  }
0xc7: {  	[spmem:s2] =	stream.indirect.scatter.add.f32 [tilespmem:s21], [sflag:$0x3], $0x80, s30, s23, $0xb8;
	[tilespmem:$0x1E800] =	vst v63  }
0xc8: {  	_ =	swait.ge [sflag:s22], $0x4000  }
0xc9: {  	[sflag:s22] =	ssyncset.done $0x0  }
0xca: {  	[sflag:s22] =	ssyncadd.s32 $0xFFFFC000  }
0xcb: {  	[tilespmem:s21], [sflag:$0x1] =	stream.indirect.gather [hbm4b:s5+s23], $0x80, s31, s23, $0xb8;
	[tilespmem:$0x1E800] =	vst v63  }
0xcc: {  	_ =	swait.ge [sflag:s29], $0x4000  }
0xcd: {  	[sflag:s29] =	ssyncset.done $0x0  }
0xce: {  	[sflag:s29] =	ssyncadd.s32 $0xFFFFC000  }
0xcf: {  	[spmem:s2] =	stream.indirect.scatter.add.f32 [tilespmem:s26], [sflag:$0x3], $0x80, s0, s23, $0xb8;
	[tilespmem:$0x1E800] =	vst v63  }
0xd0: {  	_ =	swait.ge [sflag:s22], $0x4000  }
0xd1: {  	[sflag:s22] =	ssyncset.done $0x0  }
0xd2: {  	[sflag:s22] =	ssyncadd.s32 $0xFFFFC000  }
0xd3: {  	[tilespmem:s26], [sflag:$0x2] =	stream.indirect.gather [hbm4b:s5+s23], $0x80, s1, s23, $0xb8;
	[tilespmem:$0x1E800] =	vst v63  }
0xd4: {  	_ =	swait.ge [sflag:s28], $0x4000  }
0xd5: {  	[sflag:s28] =	ssyncset.done $0x0  }
0xd6: {  	[sflag:s28] =	ssyncadd.s32 $0xFFFFC000  }
0xd7: {  	[spmem:s2] =	stream.indirect.scatter.add.f32 [tilespmem:s21], [sflag:$0x3], $0x80, s3, s23, $0xb8;
	[tilespmem:$0x1E800] =	vst v63  }
0xd8: {  	_ =	swait.ge [sflag:s22], $0x4000  }
0xd9: {  	[sflag:s22] =	ssyncset.done $0x0  }
0xda: {  	[sflag:s22] =	ssyncadd.s32 $0xFFFFC000  }
0xdb: {  	[tilespmem:s21], [sflag:$0x1] =	stream.indirect.gather [hbm4b:s5+s23], $0x80, s1, s23, $0xb8;
	[tilespmem:$0x1E800] =	vst v63  }
0xdc: {  	_ =	swait.ge [sflag:s29], $0x4000  }
0xdd: {  	[sflag:s29] =	ssyncset.done $0x0  }
0xde: {  	[sflag:s29] =	ssyncadd.s32 $0xFFFFC000  }
0xdf: {  	[spmem:s2] =	stream.indirect.scatter.add.f32 [tilespmem:s26], [sflag:$0x3], $0x80, s15, s23, $0xb8;
	[tilespmem:$0x1E800] =	vst v63  }
0xe0: {  	_ =	swait.ge [sflag:s22], $0x4000  }
0xe1: {  	[sflag:s22] =	ssyncset.done $0x0  }
0xe2: {  	[sflag:s22] =	ssyncadd.s32 $0xFFFFC000  }
0xe3: {  	[tilespmem:s26], [sflag:$0x2] =	stream.indirect.gather [hbm4b:s5+s23], $0x80, s1, s23, $0xb8;
	[tilespmem:$0x1E800] =	vst v63  }
0xe4: {  	_ =	swait.ge [sflag:s28], $0x4000  }
0xe5: {  	[sflag:s28] =	ssyncset.done $0x0  }
0xe6: {  	[sflag:s28] =	ssyncadd.s32 $0xFFFFC000  }
0xe7: {  	_ =	swait.ge [sflag:s29], $0x4000  }
0xe8: {  	[sflag:s29] =	ssyncset.done $0x0  }
0xe9: {  	s16 =	stileid.u32;
	[sflag:s29] =	ssyncadd.s32 $0xFFFFC000  }
0xea: {  	s11 =	sshll.u32 s16, $0x6;
	[bflag:$0x0] =	sbarrier.arrive $0xFFFF  }
0xeb: {  	s16 =	sshrl.u32 s6, $0x3;
	s11 =	sor.u32 $0x1C03, s11;
	s17 =	rddreg [dreg:$0x6]  }
0xec: {  	[hbm:s17], [sflag:s11] =	dma.local [spmem:s16], $0x800  }
0xed: {  	_ =	swait.ge [sflag:s22], $0x800  }
0xee: {  	[sflag:s22] =	ssyncset.done $0x0  }
0xef: {  	s16 =	sshrl.u32 s7, $0x3;
	s17 =	rddreg [dreg:$0x7];
	[sflag:s22] =	ssyncadd.s32 $0xFFFFF800  }
0xf0: {  	[hbm:s17], [sflag:s11] =	dma.local [spmem:s16], $0x800  }
0xf1: {  	_ =	swait.ge [sflag:s22], $0x800  }
0xf2: {  	[sflag:s22] =	ssyncset.done $0x0  }
0xf3: {  	s16 =	sshrl.u32 s8, $0x3;
	s17 =	rddreg [dreg:$0x8];
	[sflag:s22] =	ssyncadd.s32 $0xFFFFF800  }
0xf4: {  	[hbm:s17], [sflag:s11] =	dma.local [spmem:s16], $0x800  }
0xf5: {  	_ =	swait.ge [sflag:s22], $0x800  }
0xf6: {  	[sflag:s22] =	ssyncset.done $0x0  }
0xf7: {  	s17 =	sshrl.u32 s9, $0x3;
	[sflag:s22] =	ssyncadd.s32 $0xFFFFF800  }
0xf8: {  	[hbm:s18], [sflag:s11] =	dma.local [spmem:s17], $0x800  }
0xf9: {  	s4 =	sadd.s32 $0x1, s4;
	_ =	swait.ge [sflag:s22], $0x800  }
0xfa: {  	p1 =	sne.s32 s4, s20;
	[sflag:s22] =	ssyncset.done $0x0  }
.Ltmp3:
0xfb: {  	s17 =	sshrl.u32 s10, $0x3;
	[sflag:s22] =	ssyncadd.s32 $0xFFFFF800;
	(pc) =	sbr.rel @p1 .LBB2_1-.Ltmp3, $4  }
0xfc: {  	[hbm:s19], [sflag:s11] =	dma.local [spmem:s17], $0x800  }
0xfd: {  	_ =	swait.ge [sflag:s22], $0x800  }
0xfe: {  	[sflag:s22] =	ssyncset.done $0x0  }
0xff: {  	[sflag:s22] =	ssyncadd.s32 $0xFFFFF800  }
0x100: {  	_ =	sfence.sel $0x180000  }
0x101: {  	[bflag:$0x0] =	sbarrier.arrive $0xFFFF  }
0x102: {  	_ =	strace $0x9000004A  }
0x103: {  	s0 =	stileid.u32;
	[bflag:$0x2] =	sbarrier.arrive $0xFFFF  }
0x104: {  	p0 =	sne.s32 s0, $0x0;
	s0 =	rddreg [dreg:$0x4]  }
0x105: {  	s0 =	sadd.s32 @!p0 $0x100000, s0  }
0x106: {  	[sflag:s0] =	ssyncadd.tile.s32 @!p0 $0x1;
	_ =	shalt  }
.Lfunc_end2:
_tile_overlayer_lowered:
.L_overlay_start_2:
0x107: {  	(tag) =	ssettag $0x2  }
0x108: {  	s0 =	rddreg [dreg:$0x0];
	s2 =	stileid.u32  }
0x109: {  	s1 =	rddreg [dreg:$0x1];
	p0 =	sne.s32 s2, $0x0  }
0x10a: {  	s3 =	rddreg [dreg:$0x2];
	[bflag:$0x3] =	sbarrier.arrive $0xFFFF;
	s2 =	simm.s32 @!p0 $0x1C03  }
0x10b: {  	[timem:s3], [sflag:s2] =	dma.local @!p0 [hbm:s0], s1  }
0x10c: {  	s0 =	simm.s32 @!p0 $0x3  }
0x10d: {  	_ =	swait.ge @!p0 [sflag:s0], s1  }
0x10e: {  	s1 =	ssub.s32 @!p0 $0x0, s1;
	[sflag:s0] =	ssyncset.done @!p0 $0x0  }
0x10f: {  	[sflag:s0] =	ssyncadd.s32 @!p0 s1  }
0x110: {  	[bflag:$0x3] =	sbarrier.arrive $0xFFFF  }
0x111: {  	_ =	shalt  }

</sc_bundles>
